<compile_context>
chip_gen: v7x
topology: tpu7x:2x2x1
jax: 0.10.2.dev20260603
libtpu: 0.0.44.dev20260713+nightly
codegen_flags: <defaults>
</compile_context>

<pallas_src>
import functools

import jax
import jax.numpy as jnp
from jax import lax
from jax.experimental import pallas as pl
from jax.experimental.pallas import tpu as pltpu
from jax.experimental.pallas import tpu_sc as plsc

NW = 32
CH = 128


def _run_segment(wid, idx_hbm, table, out, idx_v, buf0, buf1, gsem0, gsem1):
    n_chunks = idx_hbm.shape[1]
    pltpu.sync_copy(idx_hbm.at[wid], idx_v.at[pl.ds(0, n_chunks)])
    base = wid * n_chunks * CH

    def body(i, _):
        j0 = 2 * i
        j1 = 2 * i + 1
        h0 = pltpu.async_copy(table.at[idx_v.at[j0]], buf0, gsem0)
        h1 = pltpu.async_copy(table.at[idx_v.at[j1]], buf1, gsem1)
        h0.wait()
        pltpu.sync_copy(buf0, out.at[pl.ds(base + j0 * CH, CH)])
        h1.wait()
        pltpu.sync_copy(buf1, out.at[pl.ds(base + j1 * CH, CH)])
        return 0

    lax.fori_loop(0, n_chunks // 2, body, 0)


def _sc_gather_ab_body(t1, t2, widx, nidx, a_out, b_out,
                       idx_v, buf0, buf1, gsem0, gsem1):
    wid = lax.axis_index("s") * 2 + lax.axis_index("c")
    _run_segment(wid, widx, t1, a_out, idx_v, buf0, buf1, gsem0, gsem1)
    _run_segment(wid, nidx, t2, b_out, idx_v, buf0, buf1, gsem0, gsem1)


def _sc_gather_c_body(t2, cidx, c_out, idx_v, buf0, buf1, gsem0, gsem1):
    wid = lax.axis_index("s") * 2 + lax.axis_index("c")
    _run_segment(wid, cidx, t2, c_out, idx_v, buf0, buf1, gsem0, gsem1)


def _sc_scratch(max_chunks, E):
    return [
        pltpu.VMEM((max_chunks, CH), jnp.int32),
        pltpu.VMEM((CH, E), jnp.float32),
        pltpu.VMEM((CH, E), jnp.float32),
        pltpu.SemaphoreType.DMA,
        pltpu.SemaphoreType.DMA,
    ]


_MESH = dict(core_axis_name="c", subcore_axis_name="s")


def _sc_gather_ab(table1, table2, widx, nidx):
    E = table1.shape[1]
    nb = widx.shape[0] * widx.shape[1] * widx.shape[2]
    nn = nidx.shape[0] * nidx.shape[1] * nidx.shape[2]
    fn = functools.partial(
        pl.kernel,
        mesh=plsc.VectorSubcoreMesh(**_MESH),
        out_type=[
            jax.ShapeDtypeStruct((nb, E), jnp.float32),
            jax.ShapeDtypeStruct((nn, E), jnp.float32),
        ],
        scratch_types=_sc_scratch(max(widx.shape[1], nidx.shape[1]), E),
        compiler_params=pltpu.CompilerParams(use_tc_tiling_on_sc=False),
    )(_sc_gather_ab_body)
    return fn(table1, table2, widx, nidx)


def _sc_gather_c(table2, cidx):
    E = table2.shape[1]
    nc = cidx.shape[0] * cidx.shape[1] * cidx.shape[2]
    fn = functools.partial(
        pl.kernel,
        mesh=plsc.VectorSubcoreMesh(**_MESH),
        out_type=jax.ShapeDtypeStruct((nc, E), jnp.float32),
        scratch_types=_sc_scratch(cidx.shape[1], E),
        compiler_params=pltpu.CompilerParams(use_tc_tiling_on_sc=False),
    )(_sc_gather_c_body)
    return fn(table2, cidx)


def _tc_renorm_body(a_ref, at_out):
    at_raw = a_ref[...].T
    n2 = jnp.sum(at_raw * at_raw, axis=0, keepdims=True)
    n = jnp.sqrt(n2)
    scale = jnp.where(n > 1.0, 1.0 / jnp.maximum(n, 1e-12), 1.0)
    at_out[...] = at_raw * scale


def _tc_renorm(a_raw):
    B, E = a_raw.shape
    return pl.pallas_call(
        _tc_renorm_body,
        out_shape=jax.ShapeDtypeStruct((E, B), jnp.float32),
    )(a_raw)


def _make_sim_body(sign):
    def body(at_ref, x_ref, xt_out, loss_ref):
        at = at_ref[...]
        E, B = at.shape
        H = B // 2
        xt = x_ref[0].T
        lo = xt[:E]
        hi = xt[E:]
        xt_out[0, :, :H] = lo
        xt_out[0, :, H:] = hi
        sim_lo = jnp.sum(lo * at[:, :H], axis=0, keepdims=True)
        sim_hi = jnp.sum(hi * at[:, H:], axis=0, keepdims=True)
        p = (jnp.sum(jnp.log1p(jnp.exp(sign * sim_lo - 0.01)))
             + jnp.sum(jnp.log1p(jnp.exp(sign * sim_hi - 0.01))))

        @pl.when(pl.program_id(0) == 0)
        def _():
            loss_ref[...] = jnp.zeros_like(loss_ref)

        loss_ref[...] += jnp.full((1, 1), p, jnp.float32)

    return body


_sim_body_b = _make_sim_body(-1.0)
_sim_body_c = _make_sim_body(1.0)


def _tc_sim(at, x3, body):
    E, B = at.shape
    K = x3.shape[0]
    return pl.pallas_call(
        body,
        grid=(K,),
        in_specs=[
            pl.BlockSpec((E, B), lambda i: (0, 0)),
            pl.BlockSpec((1, B // 2, 2 * E), lambda i: (i, 0, 0)),
        ],
        out_specs=[
            pl.BlockSpec((1, E, B), lambda i: (i, 0, 0)),
            pl.BlockSpec((1, 1), lambda i: (0, 0)),
        ],
        out_shape=[
            jax.ShapeDtypeStruct((K, E, B), jnp.float32),
            jax.ShapeDtypeStruct((1, 1), jnp.float32),
        ],
    )(at, x3)


def kernel(table1, table2, word, nbor, negs):
    B = word.shape[0]
    E = table1.shape[1]
    W = nbor.shape[1]
    NEG = negs.shape[1]

    word_i = word.astype(jnp.int32).reshape(NW, -1, CH)
    H = B // 2

    def _perm(x):
        xt = x.astype(jnp.int32).T
        return jnp.transpose(xt.reshape(-1, 2, H), (0, 2, 1)).reshape(NW, -1, CH)

    nbor_i = _perm(nbor)
    negs_i = _perm(negs)

    a_raw, b_flat = _sc_gather_ab(table1, table2, word_i, nbor_i)
    c_flat = _sc_gather_c(table2, negs_i)
    b3 = b_flat.reshape(W, H, 2 * E)
    c3 = c_flat.reshape(NEG, H, 2 * E)

    at = _tc_renorm(a_raw)
    bt, loss_b = _tc_sim(at, b3, _sim_body_b)
    ct, loss_c = _tc_sim(at, c3, _sim_body_c)

    embed_a = at.T
    embed_b = jnp.transpose(bt, (2, 0, 1))
    embed_c = jnp.transpose(ct, (2, 0, 1))
    loss = (loss_b + loss_c).reshape(())
    return (loss, embed_a, embed_b, embed_c)

# --- scband reference (transcript-rebuilt; emitter-appended) ---
"""Pipeline reference for scband-word2-vec-bow-36077725286691 (READ-ONLY COPY).

The authoritative reference and input builder live on the scoring server;
editing this copy changes nothing except your own understanding.
"""

import jax, jax.numpy as jnp
import numpy as np

VOCAB = 100000
EMBED = 64
B = 16384
W = 20
NEG = 50


def _renorm(rows, max_norm=1.0):
    # torch.nn.Embedding(max_norm=1, norm_type=2) renormalizes looked-up rows
    # whose L2 norm exceeds max_norm.
    n = jnp.linalg.norm(rows, axis=-1, keepdims=True)
    scale = jnp.where(n > max_norm, max_norm / jnp.maximum(n, 1e-12), 1.0)
    return rows * scale


def setup_inputs(seed: int = 0) -> dict:
    key = jax.random.key(seed)
    k1, k2, k3, k4, k5 = jax.random.split(key, 5)
    word = jax.random.randint(k1, (B,), 0, VOCAB, dtype=jnp.int64 if jax.config.jax_enable_x64 else jnp.int32)
    nbor = jax.random.randint(k2, (B, W), 0, VOCAB, dtype=jnp.int64 if jax.config.jax_enable_x64 else jnp.int32)
    negs = jax.random.randint(k3, (B, NEG), 0, VOCAB, dtype=jnp.int64 if jax.config.jax_enable_x64 else jnp.int32)
    # embed: uniform(-embed_size/2, embed_size/2) per original init (renormed at lookup)
    table1 = jax.random.uniform(k4, (VOCAB, EMBED), minval=-EMBED / 2.0, maxval=EMBED / 2.0, dtype=jnp.float32)
    # embed2: original init is uniform(0,0)=zeros; use tiny normal to avoid degenerate all-zero math
    table2 = jax.random.normal(k5, (VOCAB, EMBED), dtype=jnp.float32) * 0.01
    return {"table1": table1, "table2": table2, "word": word, "nbor": nbor, "negs": negs}


def reference(table1, table2, word, nbor, negs):
    # context_is_word=True, only_embedding=False path
    embed_a = _renorm(table1[word])          # [B, E]  (embed, max_norm=1)
    embed_b = table2[nbor]                   # [B, W, E] (embed2, no max_norm)
    embed_c = table2[negs]                   # [B, NEG, E]
    # bmm(embed_b, embed_a.unsqueeze(2)).squeeze(2)
    sim_1 = jnp.einsum('bwe,be->bw', embed_b, embed_a)
    sim_2 = jnp.einsum('bne,be->bn', embed_c, embed_a)
    logsigs_b = jnp.log(jax.nn.sigmoid(sim_1 + 0.01))
    logsigs_c = jnp.log(jax.nn.sigmoid(-sim_2 + 0.01))
    loss = -logsigs_b.sum() - logsigs_c.sum()
    return (loss, embed_a, embed_b, embed_c)

if __name__ == "__main__":
    import jax
    _d = setup_inputs()
    print(jax.jit(kernel)(*tuple(_d.values())))

</pallas_src>

<mosaic_0001>
#map = affine_map<(d0, d1) -> (0, 0)>
#map1 = affine_map<(d0, d1) -> (0, 0, 0)>
module attributes {stable_mosaic.version = 14 : i64} {
  func.func @_sc_gather_c_body(%arg0: i32, %arg1: i32, %arg2: memref<100000x64xf32, #tpu.memory_space<hbm>>, %arg3: memref<32x200x128xi32, #tpu.memory_space<hbm>>, %arg4: memref<819200x64xf32, #tpu.memory_space<hbm>>, %arg5: memref<200x128xi32, #tpu.memory_space<vmem>>, %arg6: memref<128x64xf32, #tpu.memory_space<vmem>>, %arg7: memref<128x64xf32, #tpu.memory_space<vmem>>, %arg8: memref<!tpu.dma_semaphore, #tpu.memory_space<semaphore_mem>>, %arg9: memref<!tpu.dma_semaphore, #tpu.memory_space<semaphore_mem>>) attributes {dimension_semantics = [#tpu.dimension_semantics<core_parallel>, #tpu.dimension_semantics<subcore_parallel>], iteration_bounds = array<i64: 2, 16>, scalar_prefetch = 0 : i64, scratch_operands = 5 : i64, tpu.core_type = #tpu.core_type<sc_vector_subcore>, window_params = [{transform_indices = #map}, {transform_indices = #map1}, {transform_indices = #map}]} {
    %mul3A = arith.constant 2 : i32
    %mul3A_0 = arith.muli %arg1, %mul3A : i32
    %add3A = arith.addi %mul3A_0, %arg0 : i32
    "tpu.region"() ({
      %run_scoped3A = tpu.sem_alloc : memref<!tpu.dma_semaphore, #tpu.memory_space<semaphore_mem>>
      %dma_start3A = arith.constant 0 : i32
      %dma_start3A_11 = arith.constant 0 : i32
      %dma_start3A_12 = tpu.memref_slice %arg5[%dma_start3A, %dma_start3A_11] : memref<200x128xi32, #tpu.memory_space<vmem>> -> memref<200x128xi32, #tpu.memory_space<vmem>>
      %dma_start3A_13 = arith.constant 0 : i32
      %dma_start3A_14 = arith.constant 0 : i32
      %dma_start3A_15 = tpu.memref_slice %arg3[%add3A, %dma_start3A_13, %dma_start3A_14] : memref<32x200x128xi32, #tpu.memory_space<hbm>> -> memref<1x200x128xi32, #tpu.memory_space<hbm>>
      %dma_start3A_16 = tpu.memref_squeeze %dma_start3A_15 : memref<1x200x128xi32, #tpu.memory_space<hbm>> -> memref<200x128xi32, #tpu.memory_space<hbm>>
      %dma_start3A_17 = arith.constant 0 : i32
      %dma_start3A_18 = arith.constant 0 : i32
      %dma_start3A_19 = tpu.memref_slice %arg5[%dma_start3A_17, %dma_start3A_18] : memref<200x128xi32, #tpu.memory_space<vmem>> -> memref<200x128xi32, #tpu.memory_space<vmem>>
      %dma_start3A_20 = arith.constant 0 : i32
      %dma_start3A_21 = arith.constant 0 : i32
      %dma_start3A_22 = tpu.memref_slice %arg3[%add3A, %dma_start3A_20, %dma_start3A_21] : memref<32x200x128xi32, #tpu.memory_space<hbm>> -> memref<1x200x128xi32, #tpu.memory_space<hbm>>
      %dma_start3A_23 = tpu.memref_squeeze %dma_start3A_22 : memref<1x200x128xi32, #tpu.memory_space<hbm>> -> memref<200x128xi32, #tpu.memory_space<hbm>>
      tpu.enqueue_dma source(%dma_start3A_23 : memref<200x128xi32, #tpu.memory_space<hbm>>) target(%dma_start3A_19 : memref<200x128xi32, #tpu.memory_space<vmem>>) target_semaphore(%run_scoped3A : memref<!tpu.dma_semaphore, #tpu.memory_space<semaphore_mem>>)
      %dma_wait3A = arith.constant 0 : i32
      %dma_wait3A_24 = arith.constant 0 : i32
      %dma_wait3A_25 = tpu.memref_slice %arg5[%dma_wait3A, %dma_wait3A_24] : memref<200x128xi32, #tpu.memory_space<vmem>> -> memref<200x128xi32, #tpu.memory_space<vmem>>
      %dma_wait3A_26 = arith.constant 0 : i32
      %dma_wait3A_27 = arith.constant 0 : i32
      %dma_wait3A_28 = tpu.memref_slice %arg3[%add3A, %dma_wait3A_26, %dma_wait3A_27] : memref<32x200x128xi32, #tpu.memory_space<hbm>> -> memref<1x200x128xi32, #tpu.memory_space<hbm>>
      %dma_wait3A_29 = tpu.memref_squeeze %dma_wait3A_28 : memref<1x200x128xi32, #tpu.memory_space<hbm>> -> memref<200x128xi32, #tpu.memory_space<hbm>>
      %dma_wait3A_30 = arith.constant 0 : i32
      %dma_wait3A_31 = arith.constant 0 : i32
      %dma_wait3A_32 = tpu.memref_slice %arg5[%dma_wait3A_30, %dma_wait3A_31] : memref<200x128xi32, #tpu.memory_space<vmem>> -> memref<200x128xi32, #tpu.memory_space<vmem>>
      %dma_wait3A_33 = arith.constant 0 : i32
      %dma_wait3A_34 = arith.constant 0 : i32
      %dma_wait3A_35 = tpu.memref_slice %arg3[%add3A, %dma_wait3A_33, %dma_wait3A_34] : memref<32x200x128xi32, #tpu.memory_space<hbm>> -> memref<1x200x128xi32, #tpu.memory_space<hbm>>
      %dma_wait3A_36 = tpu.memref_squeeze %dma_wait3A_35 : memref<1x200x128xi32, #tpu.memory_space<hbm>> -> memref<200x128xi32, #tpu.memory_space<hbm>>
      tpu.wait_dma2 semaphore(%run_scoped3A : memref<!tpu.dma_semaphore, #tpu.memory_space<semaphore_mem>>) src(%dma_wait3A_36 : memref<200x128xi32, #tpu.memory_space<hbm>>) dst(%dma_wait3A_32 : memref<200x128xi32, #tpu.memory_space<vmem>>)
      tpu.yield
    }) : () -> ()
    %mul3A_1 = arith.constant 200 : i32
    %mul3A_2 = arith.muli %add3A, %mul3A_1 : i32
    %mul3A_3 = arith.constant 128 : i32
    %mul3A_4 = arith.muli %mul3A_2, %mul3A_3 : i32
    %scan3A = arith.constant 0 : i32
    %scan3A_5 = arith.constant 0 : i32
    %scan3A_6 = arith.constant 100 : i32
    %scan3A_7 = arith.addi %scan3A_5, %scan3A_6 : i32
    %scan3A_8 = arith.constant 1 : i32
    %scan3A_9 = scf.for %scan3A_11 = %scan3A_5 to %scan3A_7 step %scan3A_8 iter_args(%scan3A_12 = %scan3A) -> (i32)  : i32 {
      %mul3A_13 = arith.constant 2 : i32
      %mul3A_14 = arith.muli %mul3A_13, %scan3A_11 : i32
      %mul3A_15 = arith.constant 2 : i32
      %mul3A_16 = arith.muli %mul3A_15, %scan3A_11 : i32
      %add3A_17 = arith.constant 1 : i32
      %add3A_18 = arith.addi %mul3A_16, %add3A_17 : i32
      %dma_start3A = arith.constant 0 : i32
      %dma_start3A_19 = tpu.memref_slice %arg5[%mul3A_14, %dma_start3A] : memref<200x128xi32, #tpu.memory_space<vmem>> -> memref<1x128xi32, #tpu.memory_space<vmem>>
      %dma_start3A_20 = tpu.memref_squeeze %dma_start3A_19 : memref<1x128xi32, #tpu.memory_space<vmem>> -> memref<128xi32, #tpu.memory_space<vmem>>
      %dma_start3A_21 = arith.constant 0 : i32
      %dma_start3A_22 = arith.constant 0 : i32
      %dma_start3A_23 = tpu.memref_slice %arg2[%dma_start3A_21, %dma_start3A_22] : memref<100000x64xf32, #tpu.memory_space<hbm>> -> memref<100000x64xf32, #tpu.memory_space<hbm>>
      tpu.enqueue_indirect_dma source(%dma_start3A_23 : memref<100000x64xf32, #tpu.memory_space<hbm>>) target(%arg6 : memref<128x64xf32, #tpu.memory_space<vmem>>) offsets(%dma_start3A_20 : memref<128xi32, #tpu.memory_space<vmem>>) semaphore(%arg8 : memref<!tpu.dma_semaphore, #tpu.memory_space<semaphore_mem>>)
      %dma_start3A_24 = arith.constant 0 : i32
      %dma_start3A_25 = tpu.memref_slice %arg5[%add3A_18, %dma_start3A_24] : memref<200x128xi32, #tpu.memory_space<vmem>> -> memref<1x128xi32, #tpu.memory_space<vmem>>
      %dma_start3A_26 = tpu.memref_squeeze %dma_start3A_25 : memref<1x128xi32, #tpu.memory_space<vmem>> -> memref<128xi32, #tpu.memory_space<vmem>>
      %dma_start3A_27 = arith.constant 0 : i32
      %dma_start3A_28 = arith.constant 0 : i32
      %dma_start3A_29 = tpu.memref_slice %arg2[%dma_start3A_27, %dma_start3A_28] : memref<100000x64xf32, #tpu.memory_space<hbm>> -> memref<100000x64xf32, #tpu.memory_space<hbm>>
      tpu.enqueue_indirect_dma source(%dma_start3A_29 : memref<100000x64xf32, #tpu.memory_space<hbm>>) target(%arg7 : memref<128x64xf32, #tpu.memory_space<vmem>>) offsets(%dma_start3A_26 : memref<128xi32, #tpu.memory_space<vmem>>) semaphore(%arg9 : memref<!tpu.dma_semaphore, #tpu.memory_space<semaphore_mem>>)
      %dma_wait3A = arith.constant 0 : i32
      %dma_wait3A_30 = tpu.memref_slice %arg5[%mul3A_14, %dma_wait3A] : memref<200x128xi32, #tpu.memory_space<vmem>> -> memref<1x128xi32, #tpu.memory_space<vmem>>
      %dma_wait3A_31 = tpu.memref_squeeze %dma_wait3A_30 : memref<1x128xi32, #tpu.memory_space<vmem>> -> memref<128xi32, #tpu.memory_space<vmem>>
      %dma_wait3A_32 = arith.constant 0 : i32
      %dma_wait3A_33 = arith.constant 0 : i32
      %dma_wait3A_34 = tpu.memref_slice %arg2[%dma_wait3A_32, %dma_wait3A_33] : memref<100000x64xf32, #tpu.memory_space<hbm>> -> memref<100000x64xf32, #tpu.memory_space<hbm>>
      tpu.wait_indirect_dma semaphore(%arg8 : memref<!tpu.dma_semaphore, #tpu.memory_space<semaphore_mem>>) src(%dma_wait3A_34 : memref<100000x64xf32, #tpu.memory_space<hbm>>) dst(%arg6 : memref<128x64xf32, #tpu.memory_space<vmem>>)
      %mul3A_35 = arith.constant 128 : i32
      %mul3A_36 = arith.muli %mul3A_14, %mul3A_35 : i32
      %add3A_37 = arith.addi %mul3A_4, %mul3A_36 : i32
      "tpu.region"() ({
        %run_scoped3A = tpu.sem_alloc : memref<!tpu.dma_semaphore, #tpu.memory_space<semaphore_mem>>
        %dma_start3A_48 = arith.constant 0 : i32
        %dma_start3A_49 = tpu.memref_slice %arg4[%add3A_37, %dma_start3A_48] : memref<819200x64xf32, #tpu.memory_space<hbm>> -> memref<128x64xf32, #tpu.memory_space<hbm>>
        %dma_start3A_50 = arith.constant 0 : i32
        %dma_start3A_51 = tpu.memref_slice %arg4[%add3A_37, %dma_start3A_50] : memref<819200x64xf32, #tpu.memory_space<hbm>> -> memref<128x64xf32, #tpu.memory_space<hbm>>
        tpu.enqueue_dma source(%arg6 : memref<128x64xf32, #tpu.memory_space<vmem>>) target(%dma_start3A_51 : memref<128x64xf32, #tpu.memory_space<hbm>>) target_semaphore(%run_scoped3A : memref<!tpu.dma_semaphore, #tpu.memory_space<semaphore_mem>>)
        %dma_wait3A_52 = arith.constant 0 : i32
        %dma_wait3A_53 = tpu.memref_slice %arg4[%add3A_37, %dma_wait3A_52] : memref<819200x64xf32, #tpu.memory_space<hbm>> -> memref<128x64xf32, #tpu.memory_space<hbm>>
        %dma_wait3A_54 = arith.constant 0 : i32
        %dma_wait3A_55 = tpu.memref_slice %arg4[%add3A_37, %dma_wait3A_54] : memref<819200x64xf32, #tpu.memory_space<hbm>> -> memref<128x64xf32, #tpu.memory_space<hbm>>
        tpu.wait_dma2 semaphore(%run_scoped3A : memref<!tpu.dma_semaphore, #tpu.memory_space<semaphore_mem>>) src(%arg6 : memref<128x64xf32, #tpu.memory_space<vmem>>) dst(%dma_wait3A_55 : memref<128x64xf32, #tpu.memory_space<hbm>>)
        tpu.yield
      }) : () -> ()
      %dma_wait3A_38 = arith.constant 0 : i32
      %dma_wait3A_39 = tpu.memref_slice %arg5[%add3A_18, %dma_wait3A_38] : memref<200x128xi32, #tpu.memory_space<vmem>> -> memref<1x128xi32, #tpu.memory_space<vmem>>
      %dma_wait3A_40 = tpu.memref_squeeze %dma_wait3A_39 : memref<1x128xi32, #tpu.memory_space<vmem>> -> memref<128xi32, #tpu.memory_space<vmem>>
      %dma_wait3A_41 = arith.constant 0 : i32
      %dma_wait3A_42 = arith.constant 0 : i32
      %dma_wait3A_43 = tpu.memref_slice %arg2[%dma_wait3A_41, %dma_wait3A_42] : memref<100000x64xf32, #tpu.memory_space<hbm>> -> memref<100000x64xf32, #tpu.memory_space<hbm>>
      tpu.wait_indirect_dma semaphore(%arg9 : memref<!tpu.dma_semaphore, #tpu.memory_space<semaphore_mem>>) src(%dma_wait3A_43 : memref<100000x64xf32, #tpu.memory_space<hbm>>) dst(%arg7 : memref<128x64xf32, #tpu.memory_space<vmem>>)
      %mul3A_44 = arith.constant 128 : i32
      %mul3A_45 = arith.muli %add3A_18, %mul3A_44 : i32
      %add3A_46 = arith.addi %mul3A_4, %mul3A_45 : i32
      "tpu.region"() ({
        %run_scoped3A = tpu.sem_alloc : memref<!tpu.dma_semaphore, #tpu.memory_space<semaphore_mem>>
        %dma_start3A_48 = arith.constant 0 : i32
        %dma_start3A_49 = tpu.memref_slice %arg4[%add3A_46, %dma_start3A_48] : memref<819200x64xf32, #tpu.memory_space<hbm>> -> memref<128x64xf32, #tpu.memory_space<hbm>>
        %dma_start3A_50 = arith.constant 0 : i32
        %dma_start3A_51 = tpu.memref_slice %arg4[%add3A_46, %dma_start3A_50] : memref<819200x64xf32, #tpu.memory_space<hbm>> -> memref<128x64xf32, #tpu.memory_space<hbm>>
        tpu.enqueue_dma source(%arg7 : memref<128x64xf32, #tpu.memory_space<vmem>>) target(%dma_start3A_51 : memref<128x64xf32, #tpu.memory_space<hbm>>) target_semaphore(%run_scoped3A : memref<!tpu.dma_semaphore, #tpu.memory_space<semaphore_mem>>)
        %dma_wait3A_52 = arith.constant 0 : i32
        %dma_wait3A_53 = tpu.memref_slice %arg4[%add3A_46, %dma_wait3A_52] : memref<819200x64xf32, #tpu.memory_space<hbm>> -> memref<128x64xf32, #tpu.memory_space<hbm>>
        %dma_wait3A_54 = arith.constant 0 : i32
        %dma_wait3A_55 = tpu.memref_slice %arg4[%add3A_46, %dma_wait3A_54] : memref<819200x64xf32, #tpu.memory_space<hbm>> -> memref<128x64xf32, #tpu.memory_space<hbm>>
        tpu.wait_dma2 semaphore(%run_scoped3A : memref<!tpu.dma_semaphore, #tpu.memory_space<semaphore_mem>>) src(%arg7 : memref<128x64xf32, #tpu.memory_space<vmem>>) dst(%dma_wait3A_55 : memref<128x64xf32, #tpu.memory_space<hbm>>)
        tpu.yield
      }) : () -> ()
      %scan3A_47 = arith.constant 0 : i32
      scf.yield %scan3A_47 : i32
    }
    %scan3A_10 = arith.constant 100 : i32
    return
  }
}

#map = affine_map<(d0, d1) -> (0, 0)>
#map1 = affine_map<(d0, d1) -> (0, 0, 0)>
module attributes {stable_mosaic.version = 14 : i64} {
  func.func @_sc_gather_ab_body(%arg0: i32, %arg1: i32, %arg2: memref<100000x64xf32, #tpu.memory_space<hbm>>, %arg3: memref<100000x64xf32, #tpu.memory_space<hbm>>, %arg4: memref<32x4x128xi32, #tpu.memory_space<hbm>>, %arg5: memref<32x80x128xi32, #tpu.memory_space<hbm>>, %arg6: memref<16384x64xf32, #tpu.memory_space<hbm>>, %arg7: memref<327680x64xf32, #tpu.memory_space<hbm>>, %arg8: memref<80x128xi32, #tpu.memory_space<vmem>>, %arg9: memref<128x64xf32, #tpu.memory_space<vmem>>, %arg10: memref<128x64xf32, #tpu.memory_space<vmem>>, %arg11: memref<!tpu.dma_semaphore, #tpu.memory_space<semaphore_mem>>, %arg12: memref<!tpu.dma_semaphore, #tpu.memory_space<semaphore_mem>>) attributes {dimension_semantics = [#tpu.dimension_semantics<core_parallel>, #tpu.dimension_semantics<subcore_parallel>], iteration_bounds = array<i64: 2, 16>, scalar_prefetch = 0 : i64, scratch_operands = 5 : i64, tpu.core_type = #tpu.core_type<sc_vector_subcore>, window_params = [{transform_indices = #map}, {transform_indices = #map}, {transform_indices = #map1}, {transform_indices = #map1}, {transform_indices = #map}, {transform_indices = #map}]} {
    %mul3A = arith.constant 2 : i32
    %mul3A_0 = arith.muli %arg1, %mul3A : i32
    %add3A = arith.addi %mul3A_0, %arg0 : i32
    "tpu.region"() ({
      %run_scoped3A = tpu.sem_alloc : memref<!tpu.dma_semaphore, #tpu.memory_space<semaphore_mem>>
      %dma_start3A = arith.constant 0 : i32
      %dma_start3A_22 = arith.constant 0 : i32
      %dma_start3A_23 = tpu.memref_slice %arg8[%dma_start3A, %dma_start3A_22] : memref<80x128xi32, #tpu.memory_space<vmem>> -> memref<4x128xi32, #tpu.memory_space<vmem>>
      %dma_start3A_24 = arith.constant 0 : i32
      %dma_start3A_25 = arith.constant 0 : i32
      %dma_start3A_26 = tpu.memref_slice %arg4[%add3A, %dma_start3A_24, %dma_start3A_25] : memref<32x4x128xi32, #tpu.memory_space<hbm>> -> memref<1x4x128xi32, #tpu.memory_space<hbm>>
      %dma_start3A_27 = tpu.memref_squeeze %dma_start3A_26 : memref<1x4x128xi32, #tpu.memory_space<hbm>> -> memref<4x128xi32, #tpu.memory_space<hbm>>
      %dma_start3A_28 = arith.constant 0 : i32
      %dma_start3A_29 = arith.constant 0 : i32
      %dma_start3A_30 = tpu.memref_slice %arg8[%dma_start3A_28, %dma_start3A_29] : memref<80x128xi32, #tpu.memory_space<vmem>> -> memref<4x128xi32, #tpu.memory_space<vmem>>
      %dma_start3A_31 = arith.constant 0 : i32
      %dma_start3A_32 = arith.constant 0 : i32
      %dma_start3A_33 = tpu.memref_slice %arg4[%add3A, %dma_start3A_31, %dma_start3A_32] : memref<32x4x128xi32, #tpu.memory_space<hbm>> -> memref<1x4x128xi32, #tpu.memory_space<hbm>>
      %dma_start3A_34 = tpu.memref_squeeze %dma_start3A_33 : memref<1x4x128xi32, #tpu.memory_space<hbm>> -> memref<4x128xi32, #tpu.memory_space<hbm>>
      tpu.enqueue_dma source(%dma_start3A_34 : memref<4x128xi32, #tpu.memory_space<hbm>>) target(%dma_start3A_30 : memref<4x128xi32, #tpu.memory_space<vmem>>) target_semaphore(%run_scoped3A : memref<!tpu.dma_semaphore, #tpu.memory_space<semaphore_mem>>)
      %dma_wait3A = arith.constant 0 : i32
      %dma_wait3A_35 = arith.constant 0 : i32
      %dma_wait3A_36 = tpu.memref_slice %arg8[%dma_wait3A, %dma_wait3A_35] : memref<80x128xi32, #tpu.memory_space<vmem>> -> memref<4x128xi32, #tpu.memory_space<vmem>>
      %dma_wait3A_37 = arith.constant 0 : i32
      %dma_wait3A_38 = arith.constant 0 : i32
      %dma_wait3A_39 = tpu.memref_slice %arg4[%add3A, %dma_wait3A_37, %dma_wait3A_38] : memref<32x4x128xi32, #tpu.memory_space<hbm>> -> memref<1x4x128xi32, #tpu.memory_space<hbm>>
      %dma_wait3A_40 = tpu.memref_squeeze %dma_wait3A_39 : memref<1x4x128xi32, #tpu.memory_space<hbm>> -> memref<4x128xi32, #tpu.memory_space<hbm>>
      %dma_wait3A_41 = arith.constant 0 : i32
      %dma_wait3A_42 = arith.constant 0 : i32
      %dma_wait3A_43 = tpu.memref_slice %arg8[%dma_wait3A_41, %dma_wait3A_42] : memref<80x128xi32, #tpu.memory_space<vmem>> -> memref<4x128xi32, #tpu.memory_space<vmem>>
      %dma_wait3A_44 = arith.constant 0 : i32
      %dma_wait3A_45 = arith.constant 0 : i32
      %dma_wait3A_46 = tpu.memref_slice %arg4[%add3A, %dma_wait3A_44, %dma_wait3A_45] : memref<32x4x128xi32, #tpu.memory_space<hbm>> -> memref<1x4x128xi32, #tpu.memory_space<hbm>>
      %dma_wait3A_47 = tpu.memref_squeeze %dma_wait3A_46 : memref<1x4x128xi32, #tpu.memory_space<hbm>> -> memref<4x128xi32, #tpu.memory_space<hbm>>
      tpu.wait_dma2 semaphore(%run_scoped3A : memref<!tpu.dma_semaphore, #tpu.memory_space<semaphore_mem>>) src(%dma_wait3A_47 : memref<4x128xi32, #tpu.memory_space<hbm>>) dst(%dma_wait3A_43 : memref<4x128xi32, #tpu.memory_space<vmem>>)
      tpu.yield
    }) : () -> ()
    %mul3A_1 = arith.constant 4 : i32
    %mul3A_2 = arith.muli %add3A, %mul3A_1 : i32
    %mul3A_3 = arith.constant 128 : i32
    %mul3A_4 = arith.muli %mul3A_2, %mul3A_3 : i32
    %scan3A = arith.constant 0 : i32
    %scan3A_5 = arith.constant 0 : i32
    %scan3A_6 = arith.constant 2 : i32
    %scan3A_7 = arith.addi %scan3A_5, %scan3A_6 : i32
    %scan3A_8 = arith.constant 1 : i32
    %scan3A_9 = scf.for %scan3A_22 = %scan3A_5 to %scan3A_7 step %scan3A_8 iter_args(%scan3A_23 = %scan3A) -> (i32)  : i32 {
      %mul3A_24 = arith.constant 2 : i32
      %mul3A_25 = arith.muli %mul3A_24, %scan3A_22 : i32
      %mul3A_26 = arith.constant 2 : i32
      %mul3A_27 = arith.muli %mul3A_26, %scan3A_22 : i32
      %add3A_28 = arith.constant 1 : i32
      %add3A_29 = arith.addi %mul3A_27, %add3A_28 : i32
      %dma_start3A = arith.constant 0 : i32
      %dma_start3A_30 = tpu.memref_slice %arg8[%mul3A_25, %dma_start3A] : memref<80x128xi32, #tpu.memory_space<vmem>> -> memref<1x128xi32, #tpu.memory_space<vmem>>
      %dma_start3A_31 = tpu.memref_squeeze %dma_start3A_30 : memref<1x128xi32, #tpu.memory_space<vmem>> -> memref<128xi32, #tpu.memory_space<vmem>>
      %dma_start3A_32 = arith.constant 0 : i32
      %dma_start3A_33 = arith.constant 0 : i32
      %dma_start3A_34 = tpu.memref_slice %arg2[%dma_start3A_32, %dma_start3A_33] : memref<100000x64xf32, #tpu.memory_space<hbm>> -> memref<100000x64xf32, #tpu.memory_space<hbm>>
      tpu.enqueue_indirect_dma source(%dma_start3A_34 : memref<100000x64xf32, #tpu.memory_space<hbm>>) target(%arg9 : memref<128x64xf32, #tpu.memory_space<vmem>>) offsets(%dma_start3A_31 : memref<128xi32, #tpu.memory_space<vmem>>) semaphore(%arg11 : memref<!tpu.dma_semaphore, #tpu.memory_space<semaphore_mem>>)
      %dma_start3A_35 = arith.constant 0 : i32
      %dma_start3A_36 = tpu.memref_slice %arg8[%add3A_29, %dma_start3A_35] : memref<80x128xi32, #tpu.memory_space<vmem>> -> memref<1x128xi32, #tpu.memory_space<vmem>>
      %dma_start3A_37 = tpu.memref_squeeze %dma_start3A_36 : memref<1x128xi32, #tpu.memory_space<vmem>> -> memref<128xi32, #tpu.memory_space<vmem>>
      %dma_start3A_38 = arith.constant 0 : i32
      %dma_start3A_39 = arith.constant 0 : i32
      %dma_start3A_40 = tpu.memref_slice %arg2[%dma_start3A_38, %dma_start3A_39] : memref<100000x64xf32, #tpu.memory_space<hbm>> -> memref<100000x64xf32, #tpu.memory_space<hbm>>
      tpu.enqueue_indirect_dma source(%dma_start3A_40 : memref<100000x64xf32, #tpu.memory_space<hbm>>) target(%arg10 : memref<128x64xf32, #tpu.memory_space<vmem>>) offsets(%dma_start3A_37 : memref<128xi32, #tpu.memory_space<vmem>>) semaphore(%arg12 : memref<!tpu.dma_semaphore, #tpu.memory_space<semaphore_mem>>)
      %dma_wait3A = arith.constant 0 : i32
      %dma_wait3A_41 = tpu.memref_slice %arg8[%mul3A_25, %dma_wait3A] : memref<80x128xi32, #tpu.memory_space<vmem>> -> memref<1x128xi32, #tpu.memory_space<vmem>>
      %dma_wait3A_42 = tpu.memref_squeeze %dma_wait3A_41 : memref<1x128xi32, #tpu.memory_space<vmem>> -> memref<128xi32, #tpu.memory_space<vmem>>
      %dma_wait3A_43 = arith.constant 0 : i32
      %dma_wait3A_44 = arith.constant 0 : i32
      %dma_wait3A_45 = tpu.memref_slice %arg2[%dma_wait3A_43, %dma_wait3A_44] : memref<100000x64xf32, #tpu.memory_space<hbm>> -> memref<100000x64xf32, #tpu.memory_space<hbm>>
      tpu.wait_indirect_dma semaphore(%arg11 : memref<!tpu.dma_semaphore, #tpu.memory_space<semaphore_mem>>) src(%dma_wait3A_45 : memref<100000x64xf32, #tpu.memory_space<hbm>>) dst(%arg9 : memref<128x64xf32, #tpu.memory_space<vmem>>)
      %mul3A_46 = arith.constant 128 : i32
      %mul3A_47 = arith.muli %mul3A_25, %mul3A_46 : i32
      %add3A_48 = arith.addi %mul3A_4, %mul3A_47 : i32
      "tpu.region"() ({
        %run_scoped3A = tpu.sem_alloc : memref<!tpu.dma_semaphore, #tpu.memory_space<semaphore_mem>>
        %dma_start3A_59 = arith.constant 0 : i32
        %dma_start3A_60 = tpu.memref_slice %arg6[%add3A_48, %dma_start3A_59] : memref<16384x64xf32, #tpu.memory_space<hbm>> -> memref<128x64xf32, #tpu.memory_space<hbm>>
        %dma_start3A_61 = arith.constant 0 : i32
        %dma_start3A_62 = tpu.memref_slice %arg6[%add3A_48, %dma_start3A_61] : memref<16384x64xf32, #tpu.memory_space<hbm>> -> memref<128x64xf32, #tpu.memory_space<hbm>>
        tpu.enqueue_dma source(%arg9 : memref<128x64xf32, #tpu.memory_space<vmem>>) target(%dma_start3A_62 : memref<128x64xf32, #tpu.memory_space<hbm>>) target_semaphore(%run_scoped3A : memref<!tpu.dma_semaphore, #tpu.memory_space<semaphore_mem>>)
        %dma_wait3A_63 = arith.constant 0 : i32
        %dma_wait3A_64 = tpu.memref_slice %arg6[%add3A_48, %dma_wait3A_63] : memref<16384x64xf32, #tpu.memory_space<hbm>> -> memref<128x64xf32, #tpu.memory_space<hbm>>
        %dma_wait3A_65 = arith.constant 0 : i32
        %dma_wait3A_66 = tpu.memref_slice %arg6[%add3A_48, %dma_wait3A_65] : memref<16384x64xf32, #tpu.memory_space<hbm>> -> memref<128x64xf32, #tpu.memory_space<hbm>>
        tpu.wait_dma2 semaphore(%run_scoped3A : memref<!tpu.dma_semaphore, #tpu.memory_space<semaphore_mem>>) src(%arg9 : memref<128x64xf32, #tpu.memory_space<vmem>>) dst(%dma_wait3A_66 : memref<128x64xf32, #tpu.memory_space<hbm>>)
        tpu.yield
      }) : () -> ()
      %dma_wait3A_49 = arith.constant 0 : i32
      %dma_wait3A_50 = tpu.memref_slice %arg8[%add3A_29, %dma_wait3A_49] : memref<80x128xi32, #tpu.memory_space<vmem>> -> memref<1x128xi32, #tpu.memory_space<vmem>>
      %dma_wait3A_51 = tpu.memref_squeeze %dma_wait3A_50 : memref<1x128xi32, #tpu.memory_space<vmem>> -> memref<128xi32, #tpu.memory_space<vmem>>
      %dma_wait3A_52 = arith.constant 0 : i32
      %dma_wait3A_53 = arith.constant 0 : i32
      %dma_wait3A_54 = tpu.memref_slice %arg2[%dma_wait3A_52, %dma_wait3A_53] : memref<100000x64xf32, #tpu.memory_space<hbm>> -> memref<100000x64xf32, #tpu.memory_space<hbm>>
      tpu.wait_indirect_dma semaphore(%arg12 : memref<!tpu.dma_semaphore, #tpu.memory_space<semaphore_mem>>) src(%dma_wait3A_54 : memref<100000x64xf32, #tpu.memory_space<hbm>>) dst(%arg10 : memref<128x64xf32, #tpu.memory_space<vmem>>)
      %mul3A_55 = arith.constant 128 : i32
      %mul3A_56 = arith.muli %add3A_29, %mul3A_55 : i32
      %add3A_57 = arith.addi %mul3A_4, %mul3A_56 : i32
      "tpu.region"() ({
        %run_scoped3A = tpu.sem_alloc : memref<!tpu.dma_semaphore, #tpu.memory_space<semaphore_mem>>
        %dma_start3A_59 = arith.constant 0 : i32
        %dma_start3A_60 = tpu.memref_slice %arg6[%add3A_57, %dma_start3A_59] : memref<16384x64xf32, #tpu.memory_space<hbm>> -> memref<128x64xf32, #tpu.memory_space<hbm>>
        %dma_start3A_61 = arith.constant 0 : i32
        %dma_start3A_62 = tpu.memref_slice %arg6[%add3A_57, %dma_start3A_61] : memref<16384x64xf32, #tpu.memory_space<hbm>> -> memref<128x64xf32, #tpu.memory_space<hbm>>
        tpu.enqueue_dma source(%arg10 : memref<128x64xf32, #tpu.memory_space<vmem>>) target(%dma_start3A_62 : memref<128x64xf32, #tpu.memory_space<hbm>>) target_semaphore(%run_scoped3A : memref<!tpu.dma_semaphore, #tpu.memory_space<semaphore_mem>>)
        %dma_wait3A_63 = arith.constant 0 : i32
        %dma_wait3A_64 = tpu.memref_slice %arg6[%add3A_57, %dma_wait3A_63] : memref<16384x64xf32, #tpu.memory_space<hbm>> -> memref<128x64xf32, #tpu.memory_space<hbm>>
        %dma_wait3A_65 = arith.constant 0 : i32
        %dma_wait3A_66 = tpu.memref_slice %arg6[%add3A_57, %dma_wait3A_65] : memref<16384x64xf32, #tpu.memory_space<hbm>> -> memref<128x64xf32, #tpu.memory_space<hbm>>
        tpu.wait_dma2 semaphore(%run_scoped3A : memref<!tpu.dma_semaphore, #tpu.memory_space<semaphore_mem>>) src(%arg10 : memref<128x64xf32, #tpu.memory_space<vmem>>) dst(%dma_wait3A_66 : memref<128x64xf32, #tpu.memory_space<hbm>>)
        tpu.yield
      }) : () -> ()
      %scan3A_58 = arith.constant 0 : i32
      scf.yield %scan3A_58 : i32
    }
    %scan3A_10 = arith.constant 2 : i32
    "tpu.region"() ({
      %run_scoped3A = tpu.sem_alloc : memref<!tpu.dma_semaphore, #tpu.memory_space<semaphore_mem>>
      %dma_start3A = arith.constant 0 : i32
      %dma_start3A_22 = arith.constant 0 : i32
      %dma_start3A_23 = tpu.memref_slice %arg8[%dma_start3A, %dma_start3A_22] : memref<80x128xi32, #tpu.memory_space<vmem>> -> memref<80x128xi32, #tpu.memory_space<vmem>>
      %dma_start3A_24 = arith.constant 0 : i32
      %dma_start3A_25 = arith.constant 0 : i32
      %dma_start3A_26 = tpu.memref_slice %arg5[%add3A, %dma_start3A_24, %dma_start3A_25] : memref<32x80x128xi32, #tpu.memory_space<hbm>> -> memref<1x80x128xi32, #tpu.memory_space<hbm>>
      %dma_start3A_27 = tpu.memref_squeeze %dma_start3A_26 : memref<1x80x128xi32, #tpu.memory_space<hbm>> -> memref<80x128xi32, #tpu.memory_space<hbm>>
      %dma_start3A_28 = arith.constant 0 : i32
      %dma_start3A_29 = arith.constant 0 : i32
      %dma_start3A_30 = tpu.memref_slice %arg8[%dma_start3A_28, %dma_start3A_29] : memref<80x128xi32, #tpu.memory_space<vmem>> -> memref<80x128xi32, #tpu.memory_space<vmem>>
      %dma_start3A_31 = arith.constant 0 : i32
      %dma_start3A_32 = arith.constant 0 : i32
      %dma_start3A_33 = tpu.memref_slice %arg5[%add3A, %dma_start3A_31, %dma_start3A_32] : memref<32x80x128xi32, #tpu.memory_space<hbm>> -> memref<1x80x128xi32, #tpu.memory_space<hbm>>
      %dma_start3A_34 = tpu.memref_squeeze %dma_start3A_33 : memref<1x80x128xi32, #tpu.memory_space<hbm>> -> memref<80x128xi32, #tpu.memory_space<hbm>>
      tpu.enqueue_dma source(%dma_start3A_34 : memref<80x128xi32, #tpu.memory_space<hbm>>) target(%dma_start3A_30 : memref<80x128xi32, #tpu.memory_space<vmem>>) target_semaphore(%run_scoped3A : memref<!tpu.dma_semaphore, #tpu.memory_space<semaphore_mem>>)
      %dma_wait3A = arith.constant 0 : i32
      %dma_wait3A_35 = arith.constant 0 : i32
      %dma_wait3A_36 = tpu.memref_slice %arg8[%dma_wait3A, %dma_wait3A_35] : memref<80x128xi32, #tpu.memory_space<vmem>> -> memref<80x128xi32, #tpu.memory_space<vmem>>
      %dma_wait3A_37 = arith.constant 0 : i32
      %dma_wait3A_38 = arith.constant 0 : i32
      %dma_wait3A_39 = tpu.memref_slice %arg5[%add3A, %dma_wait3A_37, %dma_wait3A_38] : memref<32x80x128xi32, #tpu.memory_space<hbm>> -> memref<1x80x128xi32, #tpu.memory_space<hbm>>
      %dma_wait3A_40 = tpu.memref_squeeze %dma_wait3A_39 : memref<1x80x128xi32, #tpu.memory_space<hbm>> -> memref<80x128xi32, #tpu.memory_space<hbm>>
      %dma_wait3A_41 = arith.constant 0 : i32
      %dma_wait3A_42 = arith.constant 0 : i32
      %dma_wait3A_43 = tpu.memref_slice %arg8[%dma_wait3A_41, %dma_wait3A_42] : memref<80x128xi32, #tpu.memory_space<vmem>> -> memref<80x128xi32, #tpu.memory_space<vmem>>
      %dma_wait3A_44 = arith.constant 0 : i32
      %dma_wait3A_45 = arith.constant 0 : i32
      %dma_wait3A_46 = tpu.memref_slice %arg5[%add3A, %dma_wait3A_44, %dma_wait3A_45] : memref<32x80x128xi32, #tpu.memory_space<hbm>> -> memref<1x80x128xi32, #tpu.memory_space<hbm>>
      %dma_wait3A_47 = tpu.memref_squeeze %dma_wait3A_46 : memref<1x80x128xi32, #tpu.memory_space<hbm>> -> memref<80x128xi32, #tpu.memory_space<hbm>>
      tpu.wait_dma2 semaphore(%run_scoped3A : memref<!tpu.dma_semaphore, #tpu.memory_space<semaphore_mem>>) src(%dma_wait3A_47 : memref<80x128xi32, #tpu.memory_space<hbm>>) dst(%dma_wait3A_43 : memref<80x128xi32, #tpu.memory_space<vmem>>)
      tpu.yield
    }) : () -> ()
    %mul3A_11 = arith.constant 80 : i32
    %mul3A_12 = arith.muli %add3A, %mul3A_11 : i32
    %mul3A_13 = arith.constant 128 : i32
    %mul3A_14 = arith.muli %mul3A_12, %mul3A_13 : i32
    %scan3A_15 = arith.constant 0 : i32
    %scan3A_16 = arith.constant 0 : i32
    %scan3A_17 = arith.constant 40 : i32
    %scan3A_18 = arith.addi %scan3A_16, %scan3A_17 : i32
    %scan3A_19 = arith.constant 1 : i32
    %scan3A_20 = scf.for %scan3A_22 = %scan3A_16 to %scan3A_18 step %scan3A_19 iter_args(%scan3A_23 = %scan3A_15) -> (i32)  : i32 {
      %mul3A_24 = arith.constant 2 : i32
      %mul3A_25 = arith.muli %mul3A_24, %scan3A_22 : i32
      %mul3A_26 = arith.constant 2 : i32
      %mul3A_27 = arith.muli %mul3A_26, %scan3A_22 : i32
      %add3A_28 = arith.constant 1 : i32
      %add3A_29 = arith.addi %mul3A_27, %add3A_28 : i32
      %dma_start3A = arith.constant 0 : i32
      %dma_start3A_30 = tpu.memref_slice %arg8[%mul3A_25, %dma_start3A] : memref<80x128xi32, #tpu.memory_space<vmem>> -> memref<1x128xi32, #tpu.memory_space<vmem>>
      %dma_start3A_31 = tpu.memref_squeeze %dma_start3A_30 : memref<1x128xi32, #tpu.memory_space<vmem>> -> memref<128xi32, #tpu.memory_space<vmem>>
      %dma_start3A_32 = arith.constant 0 : i32
      %dma_start3A_33 = arith.constant 0 : i32
      %dma_start3A_34 = tpu.memref_slice %arg3[%dma_start3A_32, %dma_start3A_33] : memref<100000x64xf32, #tpu.memory_space<hbm>> -> memref<100000x64xf32, #tpu.memory_space<hbm>>
      tpu.enqueue_indirect_dma source(%dma_start3A_34 : memref<100000x64xf32, #tpu.memory_space<hbm>>) target(%arg9 : memref<128x64xf32, #tpu.memory_space<vmem>>) offsets(%dma_start3A_31 : memref<128xi32, #tpu.memory_space<vmem>>) semaphore(%arg11 : memref<!tpu.dma_semaphore, #tpu.memory_space<semaphore_mem>>)
      %dma_start3A_35 = arith.constant 0 : i32
      %dma_start3A_36 = tpu.memref_slice %arg8[%add3A_29, %dma_start3A_35] : memref<80x128xi32, #tpu.memory_space<vmem>> -> memref<1x128xi32, #tpu.memory_space<vmem>>
      %dma_start3A_37 = tpu.memref_squeeze %dma_start3A_36 : memref<1x128xi32, #tpu.memory_space<vmem>> -> memref<128xi32, #tpu.memory_space<vmem>>
      %dma_start3A_38 = arith.constant 0 : i32
      %dma_start3A_39 = arith.constant 0 : i32
      %dma_start3A_40 = tpu.memref_slice %arg3[%dma_start3A_38, %dma_start3A_39] : memref<100000x64xf32, #tpu.memory_space<hbm>> -> memref<100000x64xf32, #tpu.memory_space<hbm>>
      tpu.enqueue_indirect_dma source(%dma_start3A_40 : memref<100000x64xf32, #tpu.memory_space<hbm>>) target(%arg10 : memref<128x64xf32, #tpu.memory_space<vmem>>) offsets(%dma_start3A_37 : memref<128xi32, #tpu.memory_space<vmem>>) semaphore(%arg12 : memref<!tpu.dma_semaphore, #tpu.memory_space<semaphore_mem>>)
      %dma_wait3A = arith.constant 0 : i32
      %dma_wait3A_41 = tpu.memref_slice %arg8[%mul3A_25, %dma_wait3A] : memref<80x128xi32, #tpu.memory_space<vmem>> -> memref<1x128xi32, #tpu.memory_space<vmem>>
      %dma_wait3A_42 = tpu.memref_squeeze %dma_wait3A_41 : memref<1x128xi32, #tpu.memory_space<vmem>> -> memref<128xi32, #tpu.memory_space<vmem>>
      %dma_wait3A_43 = arith.constant 0 : i32
      %dma_wait3A_44 = arith.constant 0 : i32
      %dma_wait3A_45 = tpu.memref_slice %arg3[%dma_wait3A_43, %dma_wait3A_44] : memref<100000x64xf32, #tpu.memory_space<hbm>> -> memref<100000x64xf32, #tpu.memory_space<hbm>>
      tpu.wait_indirect_dma semaphore(%arg11 : memref<!tpu.dma_semaphore, #tpu.memory_space<semaphore_mem>>) src(%dma_wait3A_45 : memref<100000x64xf32, #tpu.memory_space<hbm>>) dst(%arg9 : memref<128x64xf32, #tpu.memory_space<vmem>>)
      %mul3A_46 = arith.constant 128 : i32
      %mul3A_47 = arith.muli %mul3A_25, %mul3A_46 : i32
      %add3A_48 = arith.addi %mul3A_14, %mul3A_47 : i32
      "tpu.region"() ({
        %run_scoped3A = tpu.sem_alloc : memref<!tpu.dma_semaphore, #tpu.memory_space<semaphore_mem>>
        %dma_start3A_59 = arith.constant 0 : i32
        %dma_start3A_60 = tpu.memref_slice %arg7[%add3A_48, %dma_start3A_59] : memref<327680x64xf32, #tpu.memory_space<hbm>> -> memref<128x64xf32, #tpu.memory_space<hbm>>
        %dma_start3A_61 = arith.constant 0 : i32
        %dma_start3A_62 = tpu.memref_slice %arg7[%add3A_48, %dma_start3A_61] : memref<327680x64xf32, #tpu.memory_space<hbm>> -> memref<128x64xf32, #tpu.memory_space<hbm>>
        tpu.enqueue_dma source(%arg9 : memref<128x64xf32, #tpu.memory_space<vmem>>) target(%dma_start3A_62 : memref<128x64xf32, #tpu.memory_space<hbm>>) target_semaphore(%run_scoped3A : memref<!tpu.dma_semaphore, #tpu.memory_space<semaphore_mem>>)
        %dma_wait3A_63 = arith.constant 0 : i32
        %dma_wait3A_64 = tpu.memref_slice %arg7[%add3A_48, %dma_wait3A_63] : memref<327680x64xf32, #tpu.memory_space<hbm>> -> memref<128x64xf32, #tpu.memory_space<hbm>>
        %dma_wait3A_65 = arith.constant 0 : i32
        %dma_wait3A_66 = tpu.memref_slice %arg7[%add3A_48, %dma_wait3A_65] : memref<327680x64xf32, #tpu.memory_space<hbm>> -> memref<128x64xf32, #tpu.memory_space<hbm>>
        tpu.wait_dma2 semaphore(%run_scoped3A : memref<!tpu.dma_semaphore, #tpu.memory_space<semaphore_mem>>) src(%arg9 : memref<128x64xf32, #tpu.memory_space<vmem>>) dst(%dma_wait3A_66 : memref<128x64xf32, #tpu.memory_space<hbm>>)
        tpu.yield
      }) : () -> ()
      %dma_wait3A_49 = arith.constant 0 : i32
      %dma_wait3A_50 = tpu.memref_slice %arg8[%add3A_29, %dma_wait3A_49] : memref<80x128xi32, #tpu.memory_space<vmem>> -> memref<1x128xi32, #tpu.memory_space<vmem>>
      %dma_wait3A_51 = tpu.memref_squeeze %dma_wait3A_50 : memref<1x128xi32, #tpu.memory_space<vmem>> -> memref<128xi32, #tpu.memory_space<vmem>>
      %dma_wait3A_52 = arith.constant 0 : i32
      %dma_wait3A_53 = arith.constant 0 : i32
      %dma_wait3A_54 = tpu.memref_slice %arg3[%dma_wait3A_52, %dma_wait3A_53] : memref<100000x64xf32, #tpu.memory_space<hbm>> -> memref<100000x64xf32, #tpu.memory_space<hbm>>
      tpu.wait_indirect_dma semaphore(%arg12 : memref<!tpu.dma_semaphore, #tpu.memory_space<semaphore_mem>>) src(%dma_wait3A_54 : memref<100000x64xf32, #tpu.memory_space<hbm>>) dst(%arg10 : memref<128x64xf32, #tpu.memory_space<vmem>>)
      %mul3A_55 = arith.constant 128 : i32
      %mul3A_56 = arith.muli %add3A_29, %mul3A_55 : i32
      %add3A_57 = arith.addi %mul3A_14, %mul3A_56 : i32
      "tpu.region"() ({
        %run_scoped3A = tpu.sem_alloc : memref<!tpu.dma_semaphore, #tpu.memory_space<semaphore_mem>>
        %dma_start3A_59 = arith.constant 0 : i32
        %dma_start3A_60 = tpu.memref_slice %arg7[%add3A_57, %dma_start3A_59] : memref<327680x64xf32, #tpu.memory_space<hbm>> -> memref<128x64xf32, #tpu.memory_space<hbm>>
        %dma_start3A_61 = arith.constant 0 : i32
        %dma_start3A_62 = tpu.memref_slice %arg7[%add3A_57, %dma_start3A_61] : memref<327680x64xf32, #tpu.memory_space<hbm>> -> memref<128x64xf32, #tpu.memory_space<hbm>>
        tpu.enqueue_dma source(%arg10 : memref<128x64xf32, #tpu.memory_space<vmem>>) target(%dma_start3A_62 : memref<128x64xf32, #tpu.memory_space<hbm>>) target_semaphore(%run_scoped3A : memref<!tpu.dma_semaphore, #tpu.memory_space<semaphore_mem>>)
        %dma_wait3A_63 = arith.constant 0 : i32
        %dma_wait3A_64 = tpu.memref_slice %arg7[%add3A_57, %dma_wait3A_63] : memref<327680x64xf32, #tpu.memory_space<hbm>> -> memref<128x64xf32, #tpu.memory_space<hbm>>
        %dma_wait3A_65 = arith.constant 0 : i32
        %dma_wait3A_66 = tpu.memref_slice %arg7[%add3A_57, %dma_wait3A_65] : memref<327680x64xf32, #tpu.memory_space<hbm>> -> memref<128x64xf32, #tpu.memory_space<hbm>>
        tpu.wait_dma2 semaphore(%run_scoped3A : memref<!tpu.dma_semaphore, #tpu.memory_space<semaphore_mem>>) src(%arg10 : memref<128x64xf32, #tpu.memory_space<vmem>>) dst(%dma_wait3A_66 : memref<128x64xf32, #tpu.memory_space<hbm>>)
        tpu.yield
      }) : () -> ()
      %scan3A_58 = arith.constant 0 : i32
      scf.yield %scan3A_58 : i32
    }
    %scan3A_21 = arith.constant 40 : i32
    return
  }
}

module attributes {stable_mosaic.version = 14 : i64} {
  func.func @_tc_renorm_body(%arg0: memref<16384x64xf32, #tpu.memory_space<vmem>>, %arg1: memref<64x16384xf32, #tpu.memory_space<vmem>>) attributes {dimension_semantics = [], scalar_prefetch = 0 : i64, scratch_operands = 0 : i64, tpu.core_type = #tpu.core_type<tc>} {
    %get3A = arith.constant 0 : index
    %get3A_0 = arith.constant 0 : index
    %get3A_1 = vector.load %arg0[%get3A, %get3A_0] : memref<16384x64xf32, #tpu.memory_space<vmem>>, vector<16384x64xf32>
    %transpose3A = tpu.transpose %get3A_1, [1, 0] : vector<16384x64xf32> -> vector<64x16384xf32>
    %mul3A = arith.mulf %transpose3A, %transpose3A : vector<64x16384xf32>
    %reduce_sum3A = arith.constant dense<0.000000e+00> : vector<16384xf32>
    %reduce_sum3A_2 = vector.multi_reduction <add>, %mul3A, %reduce_sum3A [0] : vector<64x16384xf32> to vector<16384xf32>
    %broadcast_in_dim3A = vector.shape_cast %reduce_sum3A_2 : vector<16384xf32> to vector<1x16384xf32>
    %sqrt3A = math.sqrt %broadcast_in_dim3A : vector<1x16384xf32>
    %gt3A = arith.constant 1.000000e+00 : f32
    %gt3A_3 = vector.broadcast %gt3A : f32 to vector<1x16384xf32>
    %gt3A_4 = arith.cmpf ogt, %sqrt3A, %gt3A_3 : vector<1x16384xf32>
    %max3A = arith.constant 9.99999996E-13 : f32
    %max3A_5 = vector.broadcast %max3A : f32 to vector<1x16384xf32>
    %max3A_6 = arith.maximumf %sqrt3A, %max3A_5 : vector<1x16384xf32>
    %div3A = arith.constant 1.000000e+00 : f32
    %div3A_7 = vector.broadcast %div3A : f32 to vector<1x16384xf32>
    %div3A_8 = arith.divf %div3A_7, %max3A_6 : vector<1x16384xf32>
    %jit3A = arith.constant 1.000000e+00 : f32
    %broadcast_in_dim3A_9 = vector.broadcast %jit3A : f32 to vector<1x16384xf32>
    %select_n3A = arith.select %gt3A_4, %div3A_8, %broadcast_in_dim3A_9 : vector<1x16384xi1>, vector<1x16384xf32>
    %mul3A_10 = vector.broadcast %select_n3A : vector<1x16384xf32> to vector<64x16384xf32>
    %mul3A_11 = arith.mulf %transpose3A, %mul3A_10 : vector<64x16384xf32>
    %swap3A = arith.constant 0 : index
    %swap3A_12 = arith.constant 0 : index
    %swap3A_13 = vector.load %arg1[%swap3A, %swap3A_12] : memref<64x16384xf32, #tpu.memory_space<vmem>>, vector<64x16384xf32>
    tpu.vector_store %arg1[%swap3A, %swap3A_12], %mul3A_11 {strides = array<i32>} : memref<64x16384xf32, #tpu.memory_space<vmem>>, vector<64x16384xf32>,
    return
  }
}

module attributes {stable_mosaic.version = 14 : i64} {
  func.func @body(%arg0: i32, %arg1: memref<64x16384xf32, #tpu.memory_space<vmem>>, %arg2: memref<1x8192x128xf32, #tpu.memory_space<vmem>>, %arg3: memref<1x64x16384xf32, #tpu.memory_space<vmem>>, %arg4: memref<1x1xf32, #tpu.memory_space<vmem>>) attributes {dimension_semantics = [#tpu.dimension_semantics<arbitrary>], iteration_bounds = array<i64: 20>, scalar_prefetch = 0 : i64, scratch_operands = 0 : i64, tpu.core_type = #tpu.core_type<tc>, window_params = [{pipeline_mode = #tpu.pipeline_mode<synchronous>, transform_indices = @transform_0, window_bounds = array<i64: 64, 16384>}, {transform_indices = @transform_1, window_bounds = array<i64: 1, 8192, 128>}, {transform_indices = @transform_2, window_bounds = array<i64: 1, 64, 16384>}, {pipeline_mode = #tpu.pipeline_mode<synchronous>, transform_indices = @transform_3, window_bounds = array<i64: 1, 1>}]} {
    %get3A = arith.constant 0 : index
    %get3A_0 = arith.constant 0 : index
    %get3A_1 = vector.load %arg1[%get3A, %get3A_0] : memref<64x16384xf32, #tpu.memory_space<vmem>>, vector<64x16384xf32>
    %get3A_2 = arith.constant 0 : index
    %get3A_3 = arith.constant 0 : index
    %get3A_4 = arith.constant 0 : index
    %get3A_5 = vector.load %arg2[%get3A_2, %get3A_3, %get3A_4] : memref<1x8192x128xf32, #tpu.memory_space<vmem>>, vector<1x8192x128xf32>
    %get3A_6 = vector.shape_cast %get3A_5 : vector<1x8192x128xf32> to vector<8192x128xf32>
    %transpose3A = tpu.transpose %get3A_6, [1, 0] : vector<8192x128xf32> -> vector<128x8192xf32>
    %slice3A = vector.extract_strided_slice %transpose3A {offsets = [0, 0], sizes = [64, 8192], strides = [1, 1]} : vector<128x8192xf32> to vector<64x8192xf32>
    %slice3A_7 = vector.extract_strided_slice %transpose3A {offsets = [64, 0], sizes = [64, 8192], strides = [1, 1]} : vector<128x8192xf32> to vector<64x8192xf32>
    %swap3A = arith.constant 0 : index
    %swap3A_8 = arith.constant 0 : index
    %swap3A_9 = arith.constant 0 : index
    %swap3A_10 = vector.load %arg3[%swap3A, %swap3A_8, %swap3A_9] : memref<1x64x16384xf32, #tpu.memory_space<vmem>>, vector<1x64x8192xf32>
    %swap3A_11 = vector.shape_cast %swap3A_10 : vector<1x64x8192xf32> to vector<64x8192xf32>
    %swap3A_12 = vector.shape_cast %slice3A : vector<64x8192xf32> to vector<1x64x8192xf32>
    tpu.vector_store %arg3[%swap3A, %swap3A_8, %swap3A_9], %swap3A_12 {strides = array<i32>} : memref<1x64x16384xf32, #tpu.memory_space<vmem>>, vector<1x64x8192xf32>,
    %swap3A_13 = arith.constant 0 : index
    %swap3A_14 = arith.constant 0 : index
    %swap3A_15 = arith.constant 8192 : index
    %swap3A_16 = vector.load %arg3[%swap3A_13, %swap3A_14, %swap3A_15] : memref<1x64x16384xf32, #tpu.memory_space<vmem>>, vector<1x64x8192xf32>
    %swap3A_17 = vector.shape_cast %swap3A_16 : vector<1x64x8192xf32> to vector<64x8192xf32>
    %swap3A_18 = vector.shape_cast %slice3A_7 : vector<64x8192xf32> to vector<1x64x8192xf32>
    tpu.vector_store %arg3[%swap3A_13, %swap3A_14, %swap3A_15], %swap3A_18 {strides = array<i32>} : memref<1x64x16384xf32, #tpu.memory_space<vmem>>, vector<1x64x8192xf32>,
    %slice3A_19 = vector.extract_strided_slice %get3A_1 {offsets = [0, 0], sizes = [64, 8192], strides = [1, 1]} : vector<64x16384xf32> to vector<64x8192xf32>
    %mul3A = arith.mulf %slice3A, %slice3A_19 : vector<64x8192xf32>
    %reduce_sum3A = arith.constant dense<0.000000e+00> : vector<8192xf32>
    %reduce_sum3A_20 = vector.multi_reduction <add>, %mul3A, %reduce_sum3A [0] : vector<64x8192xf32> to vector<8192xf32>
    %broadcast_in_dim3A = vector.shape_cast %reduce_sum3A_20 : vector<8192xf32> to vector<1x8192xf32>
    %slice3A_21 = vector.extract_strided_slice %get3A_1 {offsets = [0, 8192], sizes = [64, 8192], strides = [1, 1]} : vector<64x16384xf32> to vector<64x8192xf32>
    %mul3A_22 = arith.mulf %slice3A_7, %slice3A_21 : vector<64x8192xf32>
    %reduce_sum3A_23 = arith.constant dense<0.000000e+00> : vector<8192xf32>
    %reduce_sum3A_24 = vector.multi_reduction <add>, %mul3A_22, %reduce_sum3A_23 [0] : vector<64x8192xf32> to vector<8192xf32>
    %broadcast_in_dim3A_25 = vector.shape_cast %reduce_sum3A_24 : vector<8192xf32> to vector<1x8192xf32>
    %mul3A_26 = arith.constant -1.000000e+00 : f32
    %mul3A_27 = vector.broadcast %mul3A_26 : f32 to vector<1x8192xf32>
    %mul3A_28 = arith.mulf %mul3A_27, %broadcast_in_dim3A : vector<1x8192xf32>
    %sub3A = arith.constant 0.00999999977 : f32
    %sub3A_29 = vector.broadcast %sub3A : f32 to vector<1x8192xf32>
    %sub3A_30 = arith.subf %mul3A_28, %sub3A_29 : vector<1x8192xf32>
    %exp3A = math.exp %sub3A_30 : vector<1x8192xf32>
    %log1p3A = math.log1p %exp3A : vector<1x8192xf32>
    %reduce_sum3A_31 = vector.shape_cast %log1p3A : vector<1x8192xf32> to vector<1x1x8192xf32>
    %reduce_sum3A_32 = arith.constant dense<0.000000e+00> : vector<1xf32>
    %reduce_sum3A_33 = vector.multi_reduction <add>, %reduce_sum3A_31, %reduce_sum3A_32 [1, 2] : vector<1x1x8192xf32> to vector<1xf32>
    %reduce_sum3A_34 = vector.shape_cast %reduce_sum3A_33 : vector<1xf32> to vector<1x1x1xf32>
    %reduce_sum3A_35 = vector.extract %reduce_sum3A_34[0, 0, 0] : f32 from vector<1x1x1xf32>
    %mul3A_36 = arith.constant -1.000000e+00 : f32
    %mul3A_37 = vector.broadcast %mul3A_36 : f32 to vector<1x8192xf32>
    %mul3A_38 = arith.mulf %mul3A_37, %broadcast_in_dim3A_25 : vector<1x8192xf32>
    %sub3A_39 = arith.constant 0.00999999977 : f32
    %sub3A_40 = vector.broadcast %sub3A_39 : f32 to vector<1x8192xf32>
    %sub3A_41 = arith.subf %mul3A_38, %sub3A_40 : vector<1x8192xf32>
    %exp3A_42 = math.exp %sub3A_41 : vector<1x8192xf32>
    %log1p3A_43 = math.log1p %exp3A_42 : vector<1x8192xf32>
    %reduce_sum3A_44 = vector.shape_cast %log1p3A_43 : vector<1x8192xf32> to vector<1x1x8192xf32>
    %reduce_sum3A_45 = arith.constant dense<0.000000e+00> : vector<1xf32>
    %reduce_sum3A_46 = vector.multi_reduction <add>, %reduce_sum3A_44, %reduce_sum3A_45 [1, 2] : vector<1x1x8192xf32> to vector<1xf32>
    %reduce_sum3A_47 = vector.shape_cast %reduce_sum3A_46 : vector<1xf32> to vector<1x1x1xf32>
    %reduce_sum3A_48 = vector.extract %reduce_sum3A_47[0, 0, 0] : f32 from vector<1x1x1xf32>
    %add3A = arith.addf %reduce_sum3A_35, %reduce_sum3A_48 : f32
    %eq3A = arith.constant 0 : i32
    %eq3A_49 = arith.cmpi eq, %arg0, %eq3A : i32
    %convert_element_type3A = arith.extui %eq3A_49 : i1 to i32
    %cond3A = arith.constant 0 : i32
    %cond3A_50 = arith.cmpi ne, %convert_element_type3A, %cond3A : i32
    scf.if %cond3A_50 {
      %broadcast_in_dim3A_59 = arith.constant 0.000000e+00 : f32
      %broadcast_in_dim3A_60 = vector.broadcast %broadcast_in_dim3A_59 : f32 to vector<1x1xf32>
      %swap3A_61 = arith.constant 0 : index
      %swap3A_62 = arith.constant 0 : index
      %swap3A_63 = vector.load %arg4[%swap3A_61, %swap3A_62] : memref<1x1xf32, #tpu.memory_space<vmem>>, vector<1x1xf32>
      tpu.vector_store %arg4[%swap3A_61, %swap3A_62], %broadcast_in_dim3A_60 {strides = array<i32>} : memref<1x1xf32, #tpu.memory_space<vmem>>, vector<1x1xf32>,
    } else {
    }
    %get3A_51 = arith.constant 0 : index
    %get3A_52 = arith.constant 0 : index
    %get3A_53 = vector.load %arg4[%get3A_51, %get3A_52] : memref<1x1xf32, #tpu.memory_space<vmem>>, vector<1x1xf32>
    %broadcast_in_dim3A_54 = vector.broadcast %add3A : f32 to vector<1x1xf32>
    %add3A_55 = arith.addf %get3A_53, %broadcast_in_dim3A_54 : vector<1x1xf32>
    %swap3A_56 = arith.constant 0 : index
    %swap3A_57 = arith.constant 0 : index
    %swap3A_58 = vector.load %arg4[%swap3A_56, %swap3A_57] : memref<1x1xf32, #tpu.memory_space<vmem>>, vector<1x1xf32>
    tpu.vector_store %arg4[%swap3A_56, %swap3A_57], %add3A_55 {strides = array<i32>} : memref<1x1xf32, #tpu.memory_space<vmem>>, vector<1x1xf32>,
    return
  }
  func.func @transform_0(%arg0: i32) -> (i32, i32) {
    %c0_i32 = arith.constant 0 : i32
    %c0_i32_0 = arith.constant 0 : i32
    %c0_i32_1 = arith.constant 0 : i32
    return %c0_i32, %c0_i32_0 : i32, i32
  }
  func.func @transform_1(%arg0: i32) -> (i32, i32, i32) {
    %c0_i32 = arith.constant 0 : i32
    %c0_i32_0 = arith.constant 0 : i32
    %c0_i32_1 = arith.constant 0 : i32
    return %arg0, %c0_i32, %c0_i32_0 : i32, i32, i32
  }
  func.func @transform_2(%arg0: i32) -> (i32, i32, i32) {
    %c0_i32 = arith.constant 0 : i32
    %c0_i32_0 = arith.constant 0 : i32
    %c0_i32_1 = arith.constant 0 : i32
    return %arg0, %c0_i32, %c0_i32_0 : i32, i32, i32
  }
  func.func @transform_3(%arg0: i32) -> (i32, i32) {
    %c0_i32 = arith.constant 0 : i32
    %c0_i32_0 = arith.constant 0 : i32
    %c0_i32_1 = arith.constant 0 : i32
    return %c0_i32, %c0_i32_0 : i32, i32
  }
}

module attributes {stable_mosaic.version = 14 : i64} {
  func.func @body(%arg0: i32, %arg1: memref<64x16384xf32, #tpu.memory_space<vmem>>, %arg2: memref<1x8192x128xf32, #tpu.memory_space<vmem>>, %arg3: memref<1x64x16384xf32, #tpu.memory_space<vmem>>, %arg4: memref<1x1xf32, #tpu.memory_space<vmem>>) attributes {dimension_semantics = [#tpu.dimension_semantics<arbitrary>], iteration_bounds = array<i64: 50>, scalar_prefetch = 0 : i64, scratch_operands = 0 : i64, tpu.core_type = #tpu.core_type<tc>, window_params = [{pipeline_mode = #tpu.pipeline_mode<synchronous>, transform_indices = @transform_0, window_bounds = array<i64: 64, 16384>}, {transform_indices = @transform_1, window_bounds = array<i64: 1, 8192, 128>}, {transform_indices = @transform_2, window_bounds = array<i64: 1, 64, 16384>}, {pipeline_mode = #tpu.pipeline_mode<synchronous>, transform_indices = @transform_3, window_bounds = array<i64: 1, 1>}]} {
    %get3A = arith.constant 0 : index
    %get3A_0 = arith.constant 0 : index
    %get3A_1 = vector.load %arg1[%get3A, %get3A_0] : memref<64x16384xf32, #tpu.memory_space<vmem>>, vector<64x16384xf32>
    %get3A_2 = arith.constant 0 : index
    %get3A_3 = arith.constant 0 : index
    %get3A_4 = arith.constant 0 : index
    %get3A_5 = vector.load %arg2[%get3A_2, %get3A_3, %get3A_4] : memref<1x8192x128xf32, #tpu.memory_space<vmem>>, vector<1x8192x128xf32>
    %get3A_6 = vector.shape_cast %get3A_5 : vector<1x8192x128xf32> to vector<8192x128xf32>
    %transpose3A = tpu.transpose %get3A_6, [1, 0] : vector<8192x128xf32> -> vector<128x8192xf32>
    %slice3A = vector.extract_strided_slice %transpose3A {offsets = [0, 0], sizes = [64, 8192], strides = [1, 1]} : vector<128x8192xf32> to vector<64x8192xf32>
    %slice3A_7 = vector.extract_strided_slice %transpose3A {offsets = [64, 0], sizes = [64, 8192], strides = [1, 1]} : vector<128x8192xf32> to vector<64x8192xf32>
    %swap3A = arith.constant 0 : index
    %swap3A_8 = arith.constant 0 : index
    %swap3A_9 = arith.constant 0 : index
    %swap3A_10 = vector.load %arg3[%swap3A, %swap3A_8, %swap3A_9] : memref<1x64x16384xf32, #tpu.memory_space<vmem>>, vector<1x64x8192xf32>
    %swap3A_11 = vector.shape_cast %swap3A_10 : vector<1x64x8192xf32> to vector<64x8192xf32>
    %swap3A_12 = vector.shape_cast %slice3A : vector<64x8192xf32> to vector<1x64x8192xf32>
    tpu.vector_store %arg3[%swap3A, %swap3A_8, %swap3A_9], %swap3A_12 {strides = array<i32>} : memref<1x64x16384xf32, #tpu.memory_space<vmem>>, vector<1x64x8192xf32>,
    %swap3A_13 = arith.constant 0 : index
    %swap3A_14 = arith.constant 0 : index
    %swap3A_15 = arith.constant 8192 : index
    %swap3A_16 = vector.load %arg3[%swap3A_13, %swap3A_14, %swap3A_15] : memref<1x64x16384xf32, #tpu.memory_space<vmem>>, vector<1x64x8192xf32>
    %swap3A_17 = vector.shape_cast %swap3A_16 : vector<1x64x8192xf32> to vector<64x8192xf32>
    %swap3A_18 = vector.shape_cast %slice3A_7 : vector<64x8192xf32> to vector<1x64x8192xf32>
    tpu.vector_store %arg3[%swap3A_13, %swap3A_14, %swap3A_15], %swap3A_18 {strides = array<i32>} : memref<1x64x16384xf32, #tpu.memory_space<vmem>>, vector<1x64x8192xf32>,
    %slice3A_19 = vector.extract_strided_slice %get3A_1 {offsets = [0, 0], sizes = [64, 8192], strides = [1, 1]} : vector<64x16384xf32> to vector<64x8192xf32>
    %mul3A = arith.mulf %slice3A, %slice3A_19 : vector<64x8192xf32>
    %reduce_sum3A = arith.constant dense<0.000000e+00> : vector<8192xf32>
    %reduce_sum3A_20 = vector.multi_reduction <add>, %mul3A, %reduce_sum3A [0] : vector<64x8192xf32> to vector<8192xf32>
    %broadcast_in_dim3A = vector.shape_cast %reduce_sum3A_20 : vector<8192xf32> to vector<1x8192xf32>
    %slice3A_21 = vector.extract_strided_slice %get3A_1 {offsets = [0, 8192], sizes = [64, 8192], strides = [1, 1]} : vector<64x16384xf32> to vector<64x8192xf32>
    %mul3A_22 = arith.mulf %slice3A_7, %slice3A_21 : vector<64x8192xf32>
    %reduce_sum3A_23 = arith.constant dense<0.000000e+00> : vector<8192xf32>
    %reduce_sum3A_24 = vector.multi_reduction <add>, %mul3A_22, %reduce_sum3A_23 [0] : vector<64x8192xf32> to vector<8192xf32>
    %broadcast_in_dim3A_25 = vector.shape_cast %reduce_sum3A_24 : vector<8192xf32> to vector<1x8192xf32>
    %mul3A_26 = arith.constant 1.000000e+00 : f32
    %mul3A_27 = vector.broadcast %mul3A_26 : f32 to vector<1x8192xf32>
    %mul3A_28 = arith.mulf %mul3A_27, %broadcast_in_dim3A : vector<1x8192xf32>
    %sub3A = arith.constant 0.00999999977 : f32
    %sub3A_29 = vector.broadcast %sub3A : f32 to vector<1x8192xf32>
    %sub3A_30 = arith.subf %mul3A_28, %sub3A_29 : vector<1x8192xf32>
    %exp3A = math.exp %sub3A_30 : vector<1x8192xf32>
    %log1p3A = math.log1p %exp3A : vector<1x8192xf32>
    %reduce_sum3A_31 = vector.shape_cast %log1p3A : vector<1x8192xf32> to vector<1x1x8192xf32>
    %reduce_sum3A_32 = arith.constant dense<0.000000e+00> : vector<1xf32>
    %reduce_sum3A_33 = vector.multi_reduction <add>, %reduce_sum3A_31, %reduce_sum3A_32 [1, 2] : vector<1x1x8192xf32> to vector<1xf32>
    %reduce_sum3A_34 = vector.shape_cast %reduce_sum3A_33 : vector<1xf32> to vector<1x1x1xf32>
    %reduce_sum3A_35 = vector.extract %reduce_sum3A_34[0, 0, 0] : f32 from vector<1x1x1xf32>
    %mul3A_36 = arith.constant 1.000000e+00 : f32
    %mul3A_37 = vector.broadcast %mul3A_36 : f32 to vector<1x8192xf32>
    %mul3A_38 = arith.mulf %mul3A_37, %broadcast_in_dim3A_25 : vector<1x8192xf32>
    %sub3A_39 = arith.constant 0.00999999977 : f32
    %sub3A_40 = vector.broadcast %sub3A_39 : f32 to vector<1x8192xf32>
    %sub3A_41 = arith.subf %mul3A_38, %sub3A_40 : vector<1x8192xf32>
    %exp3A_42 = math.exp %sub3A_41 : vector<1x8192xf32>
    %log1p3A_43 = math.log1p %exp3A_42 : vector<1x8192xf32>
    %reduce_sum3A_44 = vector.shape_cast %log1p3A_43 : vector<1x8192xf32> to vector<1x1x8192xf32>
    %reduce_sum3A_45 = arith.constant dense<0.000000e+00> : vector<1xf32>
    %reduce_sum3A_46 = vector.multi_reduction <add>, %reduce_sum3A_44, %reduce_sum3A_45 [1, 2] : vector<1x1x8192xf32> to vector<1xf32>
    %reduce_sum3A_47 = vector.shape_cast %reduce_sum3A_46 : vector<1xf32> to vector<1x1x1xf32>
    %reduce_sum3A_48 = vector.extract %reduce_sum3A_47[0, 0, 0] : f32 from vector<1x1x1xf32>
    %add3A = arith.addf %reduce_sum3A_35, %reduce_sum3A_48 : f32
    %eq3A = arith.constant 0 : i32
    %eq3A_49 = arith.cmpi eq, %arg0, %eq3A : i32
    %convert_element_type3A = arith.extui %eq3A_49 : i1 to i32
    %cond3A = arith.constant 0 : i32
    %cond3A_50 = arith.cmpi ne, %convert_element_type3A, %cond3A : i32
    scf.if %cond3A_50 {
      %broadcast_in_dim3A_59 = arith.constant 0.000000e+00 : f32
      %broadcast_in_dim3A_60 = vector.broadcast %broadcast_in_dim3A_59 : f32 to vector<1x1xf32>
      %swap3A_61 = arith.constant 0 : index
      %swap3A_62 = arith.constant 0 : index
      %swap3A_63 = vector.load %arg4[%swap3A_61, %swap3A_62] : memref<1x1xf32, #tpu.memory_space<vmem>>, vector<1x1xf32>
      tpu.vector_store %arg4[%swap3A_61, %swap3A_62], %broadcast_in_dim3A_60 {strides = array<i32>} : memref<1x1xf32, #tpu.memory_space<vmem>>, vector<1x1xf32>,
    } else {
    }
    %get3A_51 = arith.constant 0 : index
    %get3A_52 = arith.constant 0 : index
    %get3A_53 = vector.load %arg4[%get3A_51, %get3A_52] : memref<1x1xf32, #tpu.memory_space<vmem>>, vector<1x1xf32>
    %broadcast_in_dim3A_54 = vector.broadcast %add3A : f32 to vector<1x1xf32>
    %add3A_55 = arith.addf %get3A_53, %broadcast_in_dim3A_54 : vector<1x1xf32>
    %swap3A_56 = arith.constant 0 : index
    %swap3A_57 = arith.constant 0 : index
    %swap3A_58 = vector.load %arg4[%swap3A_56, %swap3A_57] : memref<1x1xf32, #tpu.memory_space<vmem>>, vector<1x1xf32>
    tpu.vector_store %arg4[%swap3A_56, %swap3A_57], %add3A_55 {strides = array<i32>} : memref<1x1xf32, #tpu.memory_space<vmem>>, vector<1x1xf32>,
    return
  }
  func.func @transform_0(%arg0: i32) -> (i32, i32) {
    %c0_i32 = arith.constant 0 : i32
    %c0_i32_0 = arith.constant 0 : i32
    %c0_i32_1 = arith.constant 0 : i32
    return %c0_i32, %c0_i32_0 : i32, i32
  }
  func.func @transform_1(%arg0: i32) -> (i32, i32, i32) {
    %c0_i32 = arith.constant 0 : i32
    %c0_i32_0 = arith.constant 0 : i32
    %c0_i32_1 = arith.constant 0 : i32
    return %arg0, %c0_i32, %c0_i32_0 : i32, i32, i32
  }
  func.func @transform_2(%arg0: i32) -> (i32, i32, i32) {
    %c0_i32 = arith.constant 0 : i32
    %c0_i32_0 = arith.constant 0 : i32
    %c0_i32_1 = arith.constant 0 : i32
    return %arg0, %c0_i32, %c0_i32_0 : i32, i32, i32
  }
  func.func @transform_3(%arg0: i32) -> (i32, i32) {
    %c0_i32 = arith.constant 0 : i32
    %c0_i32_0 = arith.constant 0 : i32
    %c0_i32_1 = arith.constant 0 : i32
    return %c0_i32, %c0_i32_0 : i32, i32
  }
}

</mosaic_0001>

<sc_bundles>
// kernel: kernel.10.cloned.1.call-start
scs
__scs_entry_jumppad:
0x0: {  	(pc) =	sbr.rel $0x88, $3  }
0x1: {  	(tag) =	ssettag $0x0;
	lr =	simm.s32 $0x1  }
0x2: {  	[smem:$0x3F9C] =	sst lr;
	_ =	strace $0xD0000000  }
0x3: {  	_ = 	snop  }
0x4: {  	_ = 	snop  }
0x5: {  	_ = 	snop  }
0x6: {  	_ = 	snop  }
0x7: {  	_ = 	snop  }
__scs_overlays_trampoline_lowered:
0x8: {  	[smem:$0x3FAB] =	sst s0  }
0x9: {  	[smem:$0x3FAC] =	sst s1  }
0xa: {  	[smem:$0x3FAD] =	sst s2  }
0xb: {  	[smem:$0x3FAE] =	sst s3  }
0xc: {  	[smem:$0x3FAF] =	sst s4  }
0xd: {  	[smem:$0x3FB0] =	sst s5  }
0xe: {  	[smem:$0x3FB1] =	sst s6  }
0xf: {  	[smem:$0x3FB2] =	sst s7  }
0x10: {  	[smem:$0x3FB3] =	sst s8  }
0x11: {  	[smem:$0x3FB4] =	sst s9;
	s0 =	simm.s32 @!p0 $0x0  }
0x12: {  	s1 =	sld [smem:$0x3F9A];
	s0 =	simm.s32 @p0 $0x1  }
0x13: {  	[smem:$0x3FB5] =	sst s0;
	s0 =	simm.s32 @!p1 $0x0  }
0x14: {  	s2 =	sld [smem:$0x3F99];
	s0 =	simm.s32 @p1 $0x1  }
0x15: {  	[smem:$0x3FB6] =	sst s0;
	s0 =	simm.s32 @!p2 $0x0  }
0x16: {  	s3 =	sld [smem:$0x3FDB];
	s0 =	simm.s32 @p2 $0x1  }
0x17: {  	s4 =	simm.s32 $0x1BF5;
	[smem:$0x3FB8] =	sst s0  }
0x18: {  	s0 =	sld [smem:$0x3F9B];
	_ =	swait.ge [sflag:s4], $0x0  }
0x19: {  	s7 =	sld [smem:$0x3F9C]  }
0x1a: {  	s8 =	sadd.s32 $0xFFFFE003, lr  }
0x1b: {  	s9 =	sadd.s32 $0xFFFFFEF7, lr;
	s5 =	simm.s32 $0xFFFFFFFF;
	p2 =	slt.u32 s8, $0xFFFFF086  }
0x1c: {  	p1 =	slt.u32 s9, $0xF7A;
	s5 =	simm.s32 @!p2 $0x0  }
0x1d: {  	s5 =	simm.s32 @p1 $0x1;
	p0 =	seq.s32 s7, s2  }
0x1e: {  	s7 =	smul.u32 @!p0 $0xF7A, s2;
	p2 =	seq.s32 @!p0 s5, $0x0  }
0x1f: {  	s9 =	smul.u32 $0xF7A, s1;
	s8 =	simm.s32 @!p0 $0x1BF5;
	p2 =	por !p2, p0  }
0x20: {  	[sflag:s8] =	ssyncset.s32 @!p0 $0xFFFFF086;
	s6 =	sadd.s32 @!p0 s3, s7;
	s7 =	simm.s32 @!p0 $0x108  }
0x21: {  	s3 =	sadd.s32 s3, s9;
	s6 =	sadd.s32 @!p0 $0x88, s6;
	s7 =	simm.s32 @p2 $0x1082  }
0x22: {  	[simem:s7], [sflag:s8] =	dma.local @!p0 [hbm:s6], $0xF7A  }
0x23: {  	s9 =	sor.u32 $0xD0000000, s2;
	s6 =	simm.s32 $0x108;
	_ =	swait.ge @!p0 [sflag:s8], $0x0  }
0x24: {  	s3 =	sadd.s32 $0x88, s3;
	s6 =	simm.s32 @!p1 $0x1082;
	[sflag:s4] =	ssyncset.s32 $0xFFFFF086  }
0x25: {  	[simem:s6], [sflag:s4] =	dma.local [hbm:s3], $0xF7A  }
0x26: {  	[smem:$0x3F9C] =	sst s1;
	(tag) =	ssettag s2;
	_ =	strace s9  }
0x27: {  	s1 =	sld [smem:$0x3FAC]  }
0x28: {  	s2 =	sld [smem:$0x3FAD]  }
0x29: {  	s4 =	sld [smem:$0x3FAF]  }
0x2a: {  	p0 =	seq.s32 s5, $0x0;
	s5 =	sld [smem:$0x3FB0]  }
0x2b: {  	s6 =	sld [smem:$0x3FB1]  }
0x2c: {  	s7 =	sld [smem:$0x3FB2]  }
0x2d: {  	s3 =	simm.s32 $0x108;
	s8 =	sld [smem:$0x3FB3]  }
0x2e: {  	s3 =	simm.s32 @!p0 $0x1082;
	s9 =	sld [smem:$0x3FB4]  }
0x2f: {  	lr =	sadd.s32 s0, s3;
	s0 =	sld [smem:$0x3FAB]  }
0x30: {  	s3 =	sld [smem:$0x3FAE]  }
0x31: {  	[smem:$0x3FB7] =	sst s10  }
0x32: {  	s10 =	sld [smem:$0x3FB5];
	_ =	sdelay $0x3  }
0x33: {  	p0 =	seq.s32 s10, $0x1;
	s10 =	sld [smem:$0x3FB7];
	_ =	sdelay $0x3  }
0x34: {  	[smem:$0x3FB7] =	sst s10  }
0x35: {  	s10 =	sld [smem:$0x3FB6];
	_ =	sdelay $0x3  }
0x36: {  	p1 =	seq.s32 s10, $0x1;
	s10 =	sld [smem:$0x3FB7];
	_ =	sdelay $0x3  }
0x37: {  	[smem:$0x3FB7] =	sst s10  }
0x38: {  	s10 =	sld [smem:$0x3FB8]  }
0x39: {  	_ = 	snop;
	(pc) =	sbr.ind lr, $3  }
0x3a: {  	_ = 	snop  }
0x3b: {  	_ = 	snop  }
0x3c: {  	p2 =	seq.s32 s10, $0x1;
	s10 =	sld [smem:$0x3FB7]  }
0x3d: {  	_ =	shalt  }
0x3e: {  	_ =	shalt  }
0x3f: {  	_ =	shalt  }
0x40: {  	_ =	shalt  }
0x41: {  	_ =	shalt  }
0x42: {  	_ =	shalt  }
0x43: {  	_ =	shalt  }
0x44: {  	_ =	shalt  }
0x45: {  	_ =	shalt  }
0x46: {  	_ =	shalt  }
0x47: {  	_ =	shalt  }
0x48: {  	_ =	shalt  }
0x49: {  	_ =	shalt  }
0x4a: {  	_ =	shalt  }
0x4b: {  	_ =	shalt  }
0x4c: {  	_ =	shalt  }
0x4d: {  	_ =	shalt  }
0x4e: {  	_ =	shalt  }
0x4f: {  	_ =	shalt  }
0x50: {  	_ =	shalt  }
0x51: {  	_ =	shalt  }
0x52: {  	_ =	shalt  }
0x53: {  	_ =	shalt  }
0x54: {  	_ =	shalt  }
0x55: {  	_ =	shalt  }
0x56: {  	_ =	shalt  }
0x57: {  	_ =	shalt  }
0x58: {  	_ =	shalt  }
0x59: {  	_ =	shalt  }
0x5a: {  	_ =	shalt  }
0x5b: {  	_ =	shalt  }
0x5c: {  	_ =	shalt  }
0x5d: {  	_ =	shalt  }
0x5e: {  	_ =	shalt  }
0x5f: {  	_ =	shalt  }
0x60: {  	_ =	shalt  }
0x61: {  	_ =	shalt  }
0x62: {  	_ =	shalt  }
0x63: {  	_ =	shalt  }
0x64: {  	_ =	shalt  }
0x65: {  	_ =	shalt  }
0x66: {  	_ =	shalt  }
0x67: {  	_ =	shalt  }
0x68: {  	_ =	shalt  }
0x69: {  	_ =	shalt  }
0x6a: {  	_ =	shalt  }
0x6b: {  	_ =	shalt  }
0x6c: {  	_ =	shalt  }
0x6d: {  	_ =	shalt  }
0x6e: {  	_ =	shalt  }
0x6f: {  	_ =	shalt  }
0x70: {  	_ =	shalt  }
0x71: {  	_ =	shalt  }
0x72: {  	_ =	shalt  }
0x73: {  	_ =	shalt  }
0x74: {  	_ =	shalt  }
0x75: {  	_ =	shalt  }
0x76: {  	_ =	shalt  }
0x77: {  	_ =	shalt  }
0x78: {  	_ =	shalt  }
0x79: {  	_ =	shalt  }
0x7a: {  	_ =	shalt  }
0x7b: {  	_ =	shalt  }
0x7c: {  	_ =	shalt  }
0x7d: {  	_ =	shalt  }
0x7e: {  	_ =	shalt  }
0x7f: {  	_ =	shalt  }
0x80: {  	_ =	shalt  }
0x81: {  	_ =	shalt  }
0x82: {  	_ =	shalt  }
0x83: {  	_ =	shalt  }
0x84: {  	_ =	shalt  }
0x85: {  	_ =	shalt  }
0x86: {  	_ =	shalt  }
0x87: {  	_ =	shalt  }
.Lfunc_end0:
.L_simem_size_0:
called_computation.1_lowered:
.L_overlay_start_0:
0x88: {  	s2 =	sld [smem:$0x3FD9]  }
0x89: {  	s3 =	sld [smem:$0x3FFE];
	_ =	sdelay $0x1  }
0x8a: {  	s1 =	srdreg.scid  }
0x8b: {  	s0 =	sand.u32 $0x1, s1  }
0x8c: {  	s17 =	sshll.u32 s0, $0xA;
	s2 =	sadd.s32 s3, s2  }
0x8d: {  	s2 =	sadd.s32 s2, s17  }
0x8e: {  	[smem:$0x3FC3] =	sst s2  }
0x8f: {  	_ = 	snop  }
0x90: {  	(tm) =	ssettm $0x1  }
0x91: {  	s18 =	sld [smem:$0x3FFB];
	_ =	sdelay $0x3  }
0x92: {  	_ =	strace s18  }
0x93: {  	s2 =	sld [smem:$0x3FFC];
	_ =	sdelay $0x3  }
0x94: {  	_ =	strace s2  }
0x95: {  	s2 =	sld [smem:$0x3FFD];
	_ =	sdelay $0x3  }
0x96: {  	_ =	strace s2  }
0x97: {  	_ =	strace $0x8FFFFFFF  }
0x98: {  	s19 =	sld [smem:$0x3FDB];
	_ =	sdelay $0x1  }
0x99: {  	s20 =	simm.s32 $_scs_section_size  }
0x9a: {  	s4 =	simm.s32 $_size__tile_overlayer_lowered;
	s5 =	simm.s32 $_tile_overlayer_lowered  }
0x9b: {  	s6 =	simm.s32 $0x1BFF;
	s21 =	sshll.u32 s5, $0x1;
	s3 =	sadd.s32 s20, s19  }
0x9c: {  	s22 =	simm.s32 $0x0;
	s4 =	sshll.u32 s4, $0x1;
	s5 =	sadd.s32 s21, s3  }
0x9d: {  	[timem:s22], [sflag:s6] =	dma.local [hbm:s5], s4  }
0x9e: {  	_ =	swait.ge [sflag:s6], s4  }
0x9f: {  	s4 =	ssub.s32 $0x0, s4;
	[sflag:s6] =	ssyncset.done $0x0  }
0xa0: {  	[sflag:s6] =	ssyncadd.s32 s4;
	_ =	sdelay $0x1  }
0xa1: {  	s23 =	simm.s32 $0x1B8B  }
0xa2: {  	_ =	swait.ge [sflag:s23], $0x1  }
0xa3: {  	[sflag:s23] =	ssyncset.done $0x0  }
0xa4: {  	[sflag:s23] =	ssyncadd.s32 $0xFFFFFFFF  }
0xa5: {  	s4 =	sld [smem:$0x0]  }
0xa6: {  	s5 =	sand.u32 $0xFFFFFFFE, s1  }
0xa7: {  	p0 =	sne.s32 s1, s5  }
0xa8: {  	s5 =	sshll.u32 @p0 s5, $0xE  }
0xa9: {  	s5 =	sadd.s32 @p0 $0x11B8D, s5;
	s6 =	sshll.u32 @p0 s4, $0x11  }
0xaa: {  	s5 =	sor.u32 @p0 s6, s5  }
0xab: {  	[sflag:s5] =	ssyncadd.remote.s32 @p0 $0x1;
	_ =	sdelay $0x1  }
0xac: {  	s5 =	simm.s32 @p0 $0x1B8D  }
0xad: {  	_ =	swait.eq @p0 [sflag:s5], $0x1  }
0xae: {  	[sflag:s5] =	ssyncadd.s32 @p0 $0xFFFFFFFF  }
0xaf: {  	s6 =	sshll.u32 @!p0 s1, $0xE  }
0xb0: {  	s6 =	sor.u32 @!p0 $0x4000, s6;
	s5 =	simm.s32 @!p0 $0x1B8D  }
0xb1: {  	s4 =	sshll.u32 @!p0 s4, $0x11;
	s6 =	sadd.s32 @!p0 $0x11B8D, s6;
	_ =	swait.eq @!p0 [sflag:s5], $0x1  }
0xb2: {  	s4 =	sor.u32 @!p0 s4, s6;
	[sflag:s5] =	ssyncadd.s32 @!p0 $0xFFFFFFFF  }
0xb3: {  	s25 =	simm.s32 $0x1B8E;
	s24 =	sld [smem:$0x3FFE];
	[sflag:s4] =	ssyncadd.remote.s32 @!p0 $0x1  }
0xb4: {  	s26 =	simm.s32 $execute0_lowered;
	[smem:$0x3FD2] =	sst s25  }
0xb5: {  	s5 =	sshll.u32 s26, $0x1;
	_ =	strace $0x80000049;
	[dreg:$0x1] =	wrdreg $0xFFFFFFFF  }
0xb6: {  	s28 =	simm.s32 $_size_execute0_lowered;
	s3 =	sadd.s32 s3, s5;
	[dreg:$0x0] =	wrdreg $0x0  }
0xb7: {  	s5 =	sshll.u32 s28, $0x1;
	[dreg:$0x2] =	wrdreg s3  }
0xb8: {  	[dreg:$0x3] =	wrdreg s5  }
0xb9: {  	[dreg:$0x4] =	wrdreg $0xC0  }
0xba: {  	_ =	task [dreg:s22], $0x5FFFF  }
0xbb: {  	[dreg:$0x1] =	wrdreg $0xFFFFFFFF  }
0xbc: {  	[dreg:$0x0] =	wrdreg $0x60  }
0xbd: {  	[dreg:$0x2] =	wrdreg s24  }
0xbe: {  	[dreg:$0x3] =	wrdreg $0xA  }
0xbf: {  	_ =	task.clear_ibuf [dreg:s22], $0x4FFFF;
	_ =	strace $0x90000049  }
0xc0: {  	s29 =	simm.s32 $0xA;
	_ =	strace $0x8000004B  }
0xc1: {  	_ =	swait.ge [sflag:s29], $0x1  }
0xc2: {  	[sflag:s29] =	ssyncadd.s32 $0xFFFFFFFF  }
0xc3: {  	_ =	strace $0x9000004B  }
0xc4: {  	_ =	sfence  }
0xc5: {  	s30 =	sld [smem:$0x0];
	_ =	sdelay $0x2  }
0xc6: {  	s31 =	sshll.u32 s1, $0xD;
	s1 =	sshrl.u32 s1, $0x2  }
0xc7: {  	s4 =	sand.u32 $0x4000, s31;
	s1 =	sadd.s32 s1, s30  }
0xc8: {  	s0 =	sor.u32 s4, s0;
	s1 =	sshll.u32 s1, $0x11  }
0xc9: {  	s0 =	sor.u32 s1, s0  }
0xca: {  	s0 =	sadd.s32 $0x8F2B, s0  }
0xcb: {  	[sflag:s0] =	ssyncadd.remote.s32 $0x1  }
0xcc: {  	_ =	sfence.sel $0xFFFF  }
0xcd: {  	[dreg:$0x0] =	wrdreg $0xFFFFFFFF;
	(pc) =	sbr.abs _section_cstart, $3  }
0xce: {  	[dreg:$0x1] =	wrdreg $0xFFFFFFFF  }
0xcf: {  	_ =	task.clear_ibuf [dreg:s22], $0x2FFFF;
	_ =	strace $0x9FFFFFFF  }
0xd0: {  	(tm) =	ssettm $0x7FFFFFFF  }
0xd1: {  	_ =	shalt  }
tec
execute0_lowered:
.L_overlay_start_1:
0x0: {  	(tag) =	ssettag $0x1  }
0x1: {  	s1 =	srdreg.scid;
	s0 =	stileid.u32  }
0x2: {  	s5 =	rddreg [dreg:$0x0];
	s2 =	simm.s32 $0x0;
	s14 =	simm.s32 $0x0  }
0x3: {  	s4 =	sand.u32 $0x1, s1;
	s1 =	rddreg [dreg:$0x1];
	s7 =	smul.u32 $0x320000, s0  }
0x4: {  	s28 =	sshll.u32 s0, $0x1;
	[smem:$0x7FF] =	sst s2;
	s8 =	smul.u32 $0xC800, s0  }
0x5: {  	s13 =	sadd.s32 $0x42CC00, s5;
	s3 =	sor.u32 s4, s28;
	s10 =	smul.u32 $0x6400, s4  }
0x6: {  	_ =	strace $0x8000004A;
	s9 =	ssub.s32 $0x2, s4;
	s12 =	smul.u32 $0x190000, s4  }
0x7: {  	s6 =	smul.u32 $0x6400, s3;
	s3 =	sadd.s32 $0xC6600, s5;
	s11 =	sshrl.u32 s9, $0x1  }
0x8: {  	s29 =	ssub.s32 s9, s11;
	s8 =	sadd.s32 s10, s8;
	s30 =	sadd.s32 s12, s7  }
0x9: {  	s9 =	simm.s32 $0x80;
	s10 =	simm.s32 $0x6400;
	s11 =	simm.s32 $0x8400  }
0xa: {  	s12 =	simm.s32 $0x1;
	s6 =	sshrl.u32 s6, $0x3;
	s31 =	sshll.u32 s8, $0x3  }
0xb: {  	s8 =	simm.s32 $0x3;
	s6 =	sadd.s32 s6, s5;
	s5 =	smax.u32 s29, $0x1  }
0xc: {  	s7 =	sadd.s32 s31, s13;
	s4 =	sadd.s32 $0x413C00, s6;
	s6 =	sshrl.u32 s30, $0x3  }
0xd: {  	s7 =	sadd.s32 $0x400, s7;
	s6 =	sadd.s32 s6, s13;
	s13 =	simm.s32 $0x2  }
.LBB2_1:
0xe: {  	[tilespmem:s2], [sflag:$0x3] =	stream.linear.gather [hbm4b:s4+s2], $0x6400, $0x38;
	[tilespmem:$0xA400] =	vst v63  }
0xf: {  	_ =	swait.ge [sflag:s8], $0x6400  }
0x10: {  	[sflag:s8] =	ssyncset.done $0x0  }
0x11: {  	[sflag:s8] =	ssyncadd.s32 $0xFFFF9C00  }
0x12: {  	[tilespmem:s10], [sflag:$0x1] =	stream.indirect.gather [hbm4b:s3+s9], $0x40, s2, s9, $0xb8;
	[tilespmem:$0xA400] =	vst v63  }
0x13: {  	s15 =	simm.s32 $0x80  }
0x14: {  	[tilespmem:s11], [sflag:$0x2] =	stream.indirect.gather [hbm4b:s3+s9], $0x40, s15, s9, $0xb8;
	[tilespmem:$0xA400] =	vst v63  }
0x15: {  	_ =	swait.ge [sflag:s12], $0x2000  }
0x16: {  	[sflag:s12] =	ssyncset.done $0x0  }
0x17: {  	s30 =	sadd.s32 $0x0, s6;
	[sflag:s12] =	ssyncadd.s32 $0xFFFFE000  }
0x18: {  	[hbm4b:s30+s2] =	stream.linear.scatter [tilespmem:s10], [sflag:$0x3], $0x2000, $0x38;
	[tilespmem:$0xA400] =	vst v63  }
0x19: {  	_ =	swait.ge [sflag:s8], $0x2000  }
0x1a: {  	[sflag:s8] =	ssyncset.done $0x0  }
0x1b: {  	[sflag:s8] =	ssyncadd.s32 $0xFFFFE000  }
0x1c: {  	_ =	swait.ge [sflag:s13], $0x2000  }
0x1d: {  	[sflag:s13] =	ssyncset.done $0x0  }
0x1e: {  	s31 =	sadd.s32 $0x0, s7;
	[sflag:s13] =	ssyncadd.s32 $0xFFFFE000  }
0x1f: {  	[hbm4b:s31+s2] =	stream.linear.scatter [tilespmem:s11], [sflag:$0x3], $0x2000, $0x38;
	[tilespmem:$0xA400] =	vst v63  }
0x20: {  	_ =	swait.ge [sflag:s8], $0x2000  }
0x21: {  	s16 =	simm.s32 $0x0;
	s15 =	simm.s32 $0x800;
	[sflag:s8] =	ssyncset.done $0x0  }
.LBB2_2:
0x22: {  	p0 =	sne.s32 s15, $0x31800;
	[sflag:s8] =	ssyncadd.s32 $0xFFFFE000;
	s16 =	sadd.s32 $0x100, s16  }
0x23: {  	[tilespmem:s10], [sflag:$0x1] =	stream.indirect.gather [hbm4b:s3+s9], $0x40, s16, s9, $0xb8;
	[tilespmem:$0xA400] =	vst v63  }
0x24: {  	s18 =	smov.u32 s15;
	s15 =	sadd.s32 $0x800, s15;
	s17 =	sadd.s32 $0x80, s16  }
0x25: {  	[tilespmem:s11], [sflag:$0x2] =	stream.indirect.gather [hbm4b:s3+s9], $0x40, s17, s9, $0xb8;
	[tilespmem:$0xA400] =	vst v63  }
0x26: {  	_ =	swait.ge [sflag:s12], $0x2000  }
0x27: {  	[sflag:s12] =	ssyncset.done $0x0  }
0x28: {  	s17 =	sadd.s32 s18, s6;
	[sflag:s12] =	ssyncadd.s32 $0xFFFFE000  }
0x29: {  	[hbm4b:s17+s2] =	stream.linear.scatter [tilespmem:s10], [sflag:$0x3], $0x2000, $0x38;
	[tilespmem:$0xA400] =	vst v63  }
0x2a: {  	_ =	swait.ge [sflag:s8], $0x2000  }
0x2b: {  	[sflag:s8] =	ssyncset.done $0x0  }
0x2c: {  	[sflag:s8] =	ssyncadd.s32 $0xFFFFE000  }
0x2d: {  	_ =	swait.ge [sflag:s13], $0x2000  }
.Ltmp0:
0x2e: {  	[sflag:s13] =	ssyncset.done $0x0;
	(pc) =	sbr.rel @p0 .LBB2_2-.Ltmp0, $4  }
0x2f: {  	s17 =	sadd.s32 s18, s7;
	[sflag:s13] =	ssyncadd.s32 $0xFFFFE000  }
0x30: {  	[hbm4b:s17+s2] =	stream.linear.scatter [tilespmem:s11], [sflag:$0x3], $0x2000, $0x38;
	[tilespmem:$0xA400] =	vst v63  }
0x31: {  	_ =	swait.ge [sflag:s8], $0x2000  }
0x32: {  	[sflag:s8] =	ssyncset.done $0x0  }
0x33: {  	s14 =	sadd.s32 $0x1, s14  }
0x34: {  	p0 =	sne.s32 s14, s5  }
.Ltmp1:
0x35: {  	_ = 	snop;
	(pc) =	sbr.rel @p0 .LBB2_1-.Ltmp1, $2  }
0x36: {  	_ =	sdelay $0x2  }
0x37: {  	[sflag:s8] =	ssyncadd.s32 $0xFFFFE000  }
0x38: {  	_ =	sfence.sel $0x180000  }
0x39: {  	[bflag:$0x0] =	sbarrier.arrive $0xFFFF  }
0x3a: {  	p0 =	sne.s32 s0, $0x0;
	_ =	strace $0x9000004A  }
0x3b: {  	s0 =	sadd.s32 @!p0 $0x100000, s1;
	[bflag:$0x2] =	sbarrier.arrive $0xFFFF  }
0x3c: {  	[sflag:s0] =	ssyncadd.tile.s32 @!p0 $0x1;
	_ =	shalt  }
.Lfunc_end2:
_tile_overlayer_lowered:
.L_overlay_start_2:
0x3d: {  	(tag) =	ssettag $0x2  }
0x3e: {  	s0 =	rddreg [dreg:$0x0];
	s2 =	stileid.u32  }
0x3f: {  	s1 =	rddreg [dreg:$0x1];
	p0 =	sne.s32 s2, $0x0  }
0x40: {  	s3 =	rddreg [dreg:$0x2];
	[bflag:$0x3] =	sbarrier.arrive $0xFFFF;
	s2 =	simm.s32 @!p0 $0x1C03  }
0x41: {  	[timem:s3], [sflag:s2] =	dma.local @!p0 [hbm:s0], s1  }
0x42: {  	s0 =	simm.s32 @!p0 $0x3  }
0x43: {  	_ =	swait.ge @!p0 [sflag:s0], s1  }
0x44: {  	s1 =	ssub.s32 @!p0 $0x0, s1;
	[sflag:s0] =	ssyncset.done @!p0 $0x0  }
0x45: {  	[sflag:s0] =	ssyncadd.s32 @!p0 s1  }
0x46: {  	[bflag:$0x3] =	sbarrier.arrive $0xFFFF  }
0x47: {  	_ =	shalt  }

// kernel: kernel.7.cloned.1.call-start
scs
__scs_entry_jumppad:
0x0: {  	(pc) =	sbr.rel $0x88, $3  }
0x1: {  	(tag) =	ssettag $0x0;
	lr =	simm.s32 $0x1  }
0x2: {  	[smem:$0x3F9C] =	sst lr;
	_ =	strace $0xD0000000  }
0x3: {  	_ = 	snop  }
0x4: {  	_ = 	snop  }
0x5: {  	_ = 	snop  }
0x6: {  	_ = 	snop  }
0x7: {  	_ = 	snop  }
__scs_overlays_trampoline_lowered:
0x8: {  	[smem:$0x3FAB] =	sst s0  }
0x9: {  	[smem:$0x3FAC] =	sst s1  }
0xa: {  	[smem:$0x3FAD] =	sst s2  }
0xb: {  	[smem:$0x3FAE] =	sst s3  }
0xc: {  	[smem:$0x3FAF] =	sst s4  }
0xd: {  	[smem:$0x3FB0] =	sst s5  }
0xe: {  	[smem:$0x3FB1] =	sst s6  }
0xf: {  	[smem:$0x3FB2] =	sst s7  }
0x10: {  	[smem:$0x3FB3] =	sst s8  }
0x11: {  	[smem:$0x3FB4] =	sst s9;
	s0 =	simm.s32 @!p0 $0x0  }
0x12: {  	s1 =	sld [smem:$0x3F9A];
	s0 =	simm.s32 @p0 $0x1  }
0x13: {  	[smem:$0x3FB5] =	sst s0;
	s0 =	simm.s32 @!p1 $0x0  }
0x14: {  	s2 =	sld [smem:$0x3F99];
	s0 =	simm.s32 @p1 $0x1  }
0x15: {  	[smem:$0x3FB6] =	sst s0;
	s0 =	simm.s32 @!p2 $0x0  }
0x16: {  	s3 =	sld [smem:$0x3FDB];
	s0 =	simm.s32 @p2 $0x1  }
0x17: {  	s4 =	simm.s32 $0x1BF5;
	[smem:$0x3FB8] =	sst s0  }
0x18: {  	s0 =	sld [smem:$0x3F9B];
	_ =	swait.ge [sflag:s4], $0x0  }
0x19: {  	s7 =	sld [smem:$0x3F9C]  }
0x1a: {  	s8 =	sadd.s32 $0xFFFFE003, lr  }
0x1b: {  	s9 =	sadd.s32 $0xFFFFFEF7, lr;
	s5 =	simm.s32 $0xFFFFFFFF;
	p2 =	slt.u32 s8, $0xFFFFF086  }
0x1c: {  	p1 =	slt.u32 s9, $0xF7A;
	s5 =	simm.s32 @!p2 $0x0  }
0x1d: {  	s5 =	simm.s32 @p1 $0x1;
	p0 =	seq.s32 s7, s2  }
0x1e: {  	s7 =	smul.u32 @!p0 $0xF7A, s2;
	p2 =	seq.s32 @!p0 s5, $0x0  }
0x1f: {  	s9 =	smul.u32 $0xF7A, s1;
	s8 =	simm.s32 @!p0 $0x1BF5;
	p2 =	por !p2, p0  }
0x20: {  	[sflag:s8] =	ssyncset.s32 @!p0 $0xFFFFF086;
	s6 =	sadd.s32 @!p0 s3, s7;
	s7 =	simm.s32 @!p0 $0x108  }
0x21: {  	s3 =	sadd.s32 s3, s9;
	s6 =	sadd.s32 @!p0 $0x88, s6;
	s7 =	simm.s32 @p2 $0x1082  }
0x22: {  	[simem:s7], [sflag:s8] =	dma.local @!p0 [hbm:s6], $0xF7A  }
0x23: {  	s9 =	sor.u32 $0xD0000000, s2;
	s6 =	simm.s32 $0x108;
	_ =	swait.ge @!p0 [sflag:s8], $0x0  }
0x24: {  	s3 =	sadd.s32 $0x88, s3;
	s6 =	simm.s32 @!p1 $0x1082;
	[sflag:s4] =	ssyncset.s32 $0xFFFFF086  }
0x25: {  	[simem:s6], [sflag:s4] =	dma.local [hbm:s3], $0xF7A  }
0x26: {  	[smem:$0x3F9C] =	sst s1;
	(tag) =	ssettag s2;
	_ =	strace s9  }
0x27: {  	s1 =	sld [smem:$0x3FAC]  }
0x28: {  	s2 =	sld [smem:$0x3FAD]  }
0x29: {  	s4 =	sld [smem:$0x3FAF]  }
0x2a: {  	p0 =	seq.s32 s5, $0x0;
	s5 =	sld [smem:$0x3FB0]  }
0x2b: {  	s6 =	sld [smem:$0x3FB1]  }
0x2c: {  	s7 =	sld [smem:$0x3FB2]  }
0x2d: {  	s3 =	simm.s32 $0x108;
	s8 =	sld [smem:$0x3FB3]  }
0x2e: {  	s3 =	simm.s32 @!p0 $0x1082;
	s9 =	sld [smem:$0x3FB4]  }
0x2f: {  	lr =	sadd.s32 s0, s3;
	s0 =	sld [smem:$0x3FAB]  }
0x30: {  	s3 =	sld [smem:$0x3FAE]  }
0x31: {  	[smem:$0x3FB7] =	sst s10  }
0x32: {  	s10 =	sld [smem:$0x3FB5];
	_ =	sdelay $0x3  }
0x33: {  	p0 =	seq.s32 s10, $0x1;
	s10 =	sld [smem:$0x3FB7];
	_ =	sdelay $0x3  }
0x34: {  	[smem:$0x3FB7] =	sst s10  }
0x35: {  	s10 =	sld [smem:$0x3FB6];
	_ =	sdelay $0x3  }
0x36: {  	p1 =	seq.s32 s10, $0x1;
	s10 =	sld [smem:$0x3FB7];
	_ =	sdelay $0x3  }
0x37: {  	[smem:$0x3FB7] =	sst s10  }
0x38: {  	s10 =	sld [smem:$0x3FB8]  }
0x39: {  	_ = 	snop;
	(pc) =	sbr.ind lr, $3  }
0x3a: {  	_ = 	snop  }
0x3b: {  	_ = 	snop  }
0x3c: {  	p2 =	seq.s32 s10, $0x1;
	s10 =	sld [smem:$0x3FB7]  }
0x3d: {  	_ =	shalt  }
0x3e: {  	_ =	shalt  }
0x3f: {  	_ =	shalt  }
0x40: {  	_ =	shalt  }
0x41: {  	_ =	shalt  }
0x42: {  	_ =	shalt  }
0x43: {  	_ =	shalt  }
0x44: {  	_ =	shalt  }
0x45: {  	_ =	shalt  }
0x46: {  	_ =	shalt  }
0x47: {  	_ =	shalt  }
0x48: {  	_ =	shalt  }
0x49: {  	_ =	shalt  }
0x4a: {  	_ =	shalt  }
0x4b: {  	_ =	shalt  }
0x4c: {  	_ =	shalt  }
0x4d: {  	_ =	shalt  }
0x4e: {  	_ =	shalt  }
0x4f: {  	_ =	shalt  }
0x50: {  	_ =	shalt  }
0x51: {  	_ =	shalt  }
0x52: {  	_ =	shalt  }
0x53: {  	_ =	shalt  }
0x54: {  	_ =	shalt  }
0x55: {  	_ =	shalt  }
0x56: {  	_ =	shalt  }
0x57: {  	_ =	shalt  }
0x58: {  	_ =	shalt  }
0x59: {  	_ =	shalt  }
0x5a: {  	_ =	shalt  }
0x5b: {  	_ =	shalt  }
0x5c: {  	_ =	shalt  }
0x5d: {  	_ =	shalt  }
0x5e: {  	_ =	shalt  }
0x5f: {  	_ =	shalt  }
0x60: {  	_ =	shalt  }
0x61: {  	_ =	shalt  }
0x62: {  	_ =	shalt  }
0x63: {  	_ =	shalt  }
0x64: {  	_ =	shalt  }
0x65: {  	_ =	shalt  }
0x66: {  	_ =	shalt  }
0x67: {  	_ =	shalt  }
0x68: {  	_ =	shalt  }
0x69: {  	_ =	shalt  }
0x6a: {  	_ =	shalt  }
0x6b: {  	_ =	shalt  }
0x6c: {  	_ =	shalt  }
0x6d: {  	_ =	shalt  }
0x6e: {  	_ =	shalt  }
0x6f: {  	_ =	shalt  }
0x70: {  	_ =	shalt  }
0x71: {  	_ =	shalt  }
0x72: {  	_ =	shalt  }
0x73: {  	_ =	shalt  }
0x74: {  	_ =	shalt  }
0x75: {  	_ =	shalt  }
0x76: {  	_ =	shalt  }
0x77: {  	_ =	shalt  }
0x78: {  	_ =	shalt  }
0x79: {  	_ =	shalt  }
0x7a: {  	_ =	shalt  }
0x7b: {  	_ =	shalt  }
0x7c: {  	_ =	shalt  }
0x7d: {  	_ =	shalt  }
0x7e: {  	_ =	shalt  }
0x7f: {  	_ =	shalt  }
0x80: {  	_ =	shalt  }
0x81: {  	_ =	shalt  }
0x82: {  	_ =	shalt  }
0x83: {  	_ =	shalt  }
0x84: {  	_ =	shalt  }
0x85: {  	_ =	shalt  }
0x86: {  	_ =	shalt  }
0x87: {  	_ =	shalt  }
.Lfunc_end0:
.L_simem_size_0:
called_computation_lowered:
.L_overlay_start_0:
0x88: {  	s2 =	sld [smem:$0x3FD9]  }
0x89: {  	s3 =	sld [smem:$0x3FFE];
	_ =	sdelay $0x1  }
0x8a: {  	s1 =	srdreg.scid  }
0x8b: {  	s0 =	sand.u32 $0x1, s1  }
0x8c: {  	s14 =	sshll.u32 s0, $0xA;
	s2 =	sadd.s32 s3, s2  }
0x8d: {  	s2 =	sadd.s32 s2, s14  }
0x8e: {  	[smem:$0x3FC3] =	sst s2  }
0x8f: {  	_ = 	snop  }
0x90: {  	s2 =	sld [smem:$0x3FD0];
	_ =	sdelay $0x2  }
0x91: {  	s4 =	simm.s32 $0xB;
	s5 =	simm.s32 $0x10;
	s15 =	sld [smem:$0x3FC7]  }
0x92: {  	[smem:s5], [sflag:s4] =	dma.local [hbm:s2], $0x1  }
0x93: {  	_ =	swait.eq [sflag:s4], $0x1  }
0x94: {  	[sflag:s4] =	ssyncset.done $0x0  }
0x95: {  	[sflag:s4] =	ssyncadd.s32 $0xFFFFFFFF  }
0x96: {  	s16 =	sld [smem:$0x11];
	(tm) =	ssettm $0x1  }
0x97: {  	s17 =	sld [smem:$0x3FFB];
	_ =	sdelay $0x3  }
0x98: {  	_ =	strace s17  }
0x99: {  	s4 =	sld [smem:$0x3FFC];
	_ =	sdelay $0x3  }
0x9a: {  	_ =	strace s4  }
0x9b: {  	s4 =	sld [smem:$0x3FFD];
	_ =	sdelay $0x3  }
0x9c: {  	_ =	strace s4  }
0x9d: {  	_ =	strace $0x8FFFFFFF  }
0x9e: {  	s18 =	sld [smem:$0x3FDB];
	_ =	sdelay $0x1  }
0x9f: {  	s19 =	simm.s32 $_scs_section_size  }
0xa0: {  	s6 =	simm.s32 $_size__tile_overlayer_lowered;
	s7 =	simm.s32 $_tile_overlayer_lowered  }
0xa1: {  	s22 =	simm.s32 $0x1BFF;
	s21 =	sshll.u32 s7, $0x1;
	s4 =	sadd.s32 s19, s18  }
0xa2: {  	s8 =	simm.s32 $0x0;
	s20 =	sshll.u32 s6, $0x1;
	s6 =	sadd.s32 s21, s4  }
0xa3: {  	[timem:s8], [sflag:s22] =	dma.local [hbm:s6], s20  }
0xa4: {  	_ =	swait.ge [sflag:s22], s20  }
0xa5: {  	s5 =	ssub.s32 $0x0, s20;
	[sflag:s22] =	ssyncset.done $0x0  }
0xa6: {  	[sflag:s22] =	ssyncadd.s32 s5;
	_ =	sdelay $0x1  }
0xa7: {  	s23 =	simm.s32 $0x1B8B  }
0xa8: {  	_ =	swait.ge [sflag:s23], $0x1  }
0xa9: {  	[sflag:s23] =	ssyncset.done $0x0  }
0xaa: {  	s25 =	simm.s32 $0x1B8E;
	s24 =	sld [smem:$0x3FFE];
	[sflag:s23] =	ssyncadd.s32 $0xFFFFFFFF  }
0xab: {  	s26 =	simm.s32 $execute0_lowered;
	[smem:$0x3FD2] =	sst s25  }
0xac: {  	s6 =	sshll.u32 s26, $0x1;
	_ =	strace $0x80000046;
	[dreg:$0x1] =	wrdreg $0xFFFFFFFF  }
0xad: {  	s28 =	simm.s32 $_size_execute0_lowered;
	s4 =	sadd.s32 s4, s6;
	[dreg:$0x0] =	wrdreg $0x0  }
0xae: {  	s6 =	sshll.u32 s28, $0x1;
	[dreg:$0x2] =	wrdreg s4  }
0xaf: {  	[dreg:$0x3] =	wrdreg s6  }
0xb0: {  	[dreg:$0x4] =	wrdreg $0xC0  }
0xb1: {  	_ =	task [dreg:s8], $0x5FFFF  }
0xb2: {  	[dreg:$0x1] =	wrdreg $0xFFFFFFFF  }
0xb3: {  	[dreg:$0x0] =	wrdreg $0x60  }
0xb4: {  	[dreg:$0x2] =	wrdreg s24  }
0xb5: {  	[dreg:$0x3] =	wrdreg s15  }
0xb6: {  	[dreg:$0x4] =	wrdreg s16  }
0xb7: {  	[dreg:$0x5] =	wrdreg $0x9  }
0xb8: {  	_ =	task.clear_ibuf [dreg:s8], $0x6FFFF;
	_ =	strace $0x90000046  }
0xb9: {  	s29 =	simm.s32 $0x9;
	_ =	strace $0x80000048  }
0xba: {  	_ =	swait.ge [sflag:s29], $0x1  }
0xbb: {  	[sflag:s29] =	ssyncadd.s32 $0xFFFFFFFF  }
0xbc: {  	_ =	strace $0x90000048  }
0xbd: {  	_ =	sfence  }
0xbe: {  	s30 =	sld [smem:$0x0];
	_ =	sdelay $0x2  }
0xbf: {  	s31 =	sshll.u32 s1, $0xD;
	s1 =	sshrl.u32 s1, $0x2  }
0xc0: {  	s3 =	sand.u32 $0x4000, s31;
	s1 =	sadd.s32 s1, s30  }
0xc1: {  	s0 =	sor.u32 s3, s0;
	s1 =	sshll.u32 s1, $0x11  }
0xc2: {  	s0 =	sor.u32 s1, s0  }
0xc3: {  	s0 =	sadd.s32 $0x8F2B, s0  }
0xc4: {  	[sflag:s0] =	ssyncadd.remote.s32 $0x1  }
0xc5: {  	_ =	sfence.sel $0xFFFF  }
0xc6: {  	[dreg:$0x0] =	wrdreg $0xFFFFFFFF;
	(pc) =	sbr.abs _section_cstart, $3  }
0xc7: {  	[dreg:$0x1] =	wrdreg $0xFFFFFFFF  }
0xc8: {  	_ =	task.clear_ibuf [dreg:s8], $0x2FFFF;
	_ =	strace $0x9FFFFFFF  }
0xc9: {  	(tm) =	ssettm $0x7FFFFFFF  }
tec
execute0_lowered:
.L_overlay_start_1:
0x0: {  	(tag) =	ssettag $0x1  }
0x1: {  	s5 =	rddreg [dreg:$0x0]  }
0x2: {  	s6 =	rddreg [dreg:$0x1];
	s1 =	srdreg.scid  }
0x3: {  	s0 =	stileid.u32;
	s7 =	rddreg [dreg:$0x2]  }
0x4: {  	s2 =	simm.s32 $0x0;
	s17 =	simm.s32 $0x4800;
	s18 =	simm.s32 $0x1  }
0x5: {  	s19 =	simm.s32 $0x2;
	s20 =	simm.s32 $0x100;
	s21 =	simm.s32 $0x180  }
0x6: {  	s22 =	simm.s32 $0x0;
	s8 =	sand.u32 $0x1, s1;
	s1 =	rddreg [dreg:$0x3]  }
0x7: {  	s3 =	sshll.u32 s0, $0x1;
	[smem:$0x7FF] =	sst s2;
	s13 =	smul.u32 $0x140000, s0  }
0x8: {  	s4 =	sadd.s32 $0xC6600, s5;
	s14 =	sadd.s32 $0x193C00, s5;
	s26 =	smul.u32 $0x5000, s0  }
0x9: {  	s9 =	sor.u32 s8, s3;
	_ =	strace $0x80000047;
	s15 =	smul.u32 $0x2800, s8  }
0xa: {  	s3 =	sadd.s32 $0x3000, s5;
	s11 =	ssub.s32 $0x2, s8;
	s16 =	smul.u32 $0xA0000, s8  }
0xb: {  	s10 =	smul.u32 $0x2800, s9;
	s12 =	sshrl.u32 s11, $0x1;
	s28 =	sshll.u32 s9, $0x6  }
0xc: {  	s9 =	sshll.u32 s9, $0xC;
	s11 =	ssub.s32 s11, s12;
	s29 =	sadd.s32 s15, s26  }
0xd: {  	s30 =	sadd.s32 s16, s13;
	s15 =	simm.s32 $0x80;
	s16 =	simm.s32 $0x2800  }
0xe: {  	s10 =	sshrl.u32 s10, $0x3;
	s8 =	smax.u32 s11, $0x1;
	s12 =	sshll.u32 s29, $0x3  }
0xf: {  	s13 =	sshrl.u32 s30, $0x3;
	s10 =	sadd.s32 s10, s5;
	s5 =	sadd.s32 s6, s28  }
0x10: {  	s6 =	sadd.s32 s7, s9;
	s31 =	sadd.s32 s12, s14;
	s12 =	sadd.s32 s13, s14  }
0x11: {  	s14 =	simm.s32 $0x3;
	s7 =	sadd.s32 $0x189C00, s10;
	s9 =	sadd.s32 $0x400, s6  }
0x12: {  	s10 =	sadd.s32 $0x800, s6;
	s11 =	sadd.s32 $0xC00, s6;
	s13 =	sadd.s32 $0x400, s31  }
.LBB2_1:
0x13: {  	[tilespmem:s2], [sflag:$0x3] =	stream.linear.gather [hbm4b:s5+s2], $0x200, $0x38;
	[tilespmem:$0x6800] =	vst v63  }
0x14: {  	_ =	swait.ge [sflag:s14], $0x200  }
0x15: {  	[sflag:s14] =	ssyncset.done $0x0  }
0x16: {  	[sflag:s14] =	ssyncadd.s32 $0xFFFFFE00  }
0x17: {  	[tilespmem:s16], [sflag:$0x1] =	stream.indirect.gather [hbm4b:s3+s15], $0x40, s2, s15, $0xb8;
	[tilespmem:$0x6800] =	vst v63  }
0x18: {  	_ = 	snop  }
0x19: {  	[tilespmem:s17], [sflag:$0x2] =	stream.indirect.gather [hbm4b:s3+s15], $0x40, s15, s15, $0xb8;
	[tilespmem:$0x6800] =	vst v63  }
0x1a: {  	_ =	swait.ge [sflag:s18], $0x2000  }
0x1b: {  	[sflag:s18] =	ssyncset.done $0x0  }
0x1c: {  	[sflag:s18] =	ssyncadd.s32 $0xFFFFE000  }
0x1d: {  	[hbm4b:s6+s2] =	stream.linear.scatter [tilespmem:s16], [sflag:$0x3], $0x2000, $0x38;
	[tilespmem:$0x6800] =	vst v63  }
0x1e: {  	_ =	swait.ge [sflag:s14], $0x2000  }
0x1f: {  	[sflag:s14] =	ssyncset.done $0x0  }
0x20: {  	[sflag:s14] =	ssyncadd.s32 $0xFFFFE000  }
0x21: {  	_ =	swait.ge [sflag:s19], $0x2000  }
0x22: {  	[sflag:s19] =	ssyncset.done $0x0  }
0x23: {  	[sflag:s19] =	ssyncadd.s32 $0xFFFFE000  }
0x24: {  	[hbm4b:s9+s2] =	stream.linear.scatter [tilespmem:s17], [sflag:$0x3], $0x2000, $0x38;
	[tilespmem:$0x6800] =	vst v63  }
0x25: {  	_ =	swait.ge [sflag:s14], $0x2000  }
0x26: {  	[sflag:s14] =	ssyncset.done $0x0  }
0x27: {  	[sflag:s14] =	ssyncadd.s32 $0xFFFFE000  }
0x28: {  	[tilespmem:s16], [sflag:$0x1] =	stream.indirect.gather [hbm4b:s3+s15], $0x40, s20, s15, $0xb8;
	[tilespmem:$0x6800] =	vst v63  }
0x29: {  	_ = 	snop  }
0x2a: {  	[tilespmem:s17], [sflag:$0x2] =	stream.indirect.gather [hbm4b:s3+s15], $0x40, s21, s15, $0xb8;
	[tilespmem:$0x6800] =	vst v63  }
0x2b: {  	_ =	swait.ge [sflag:s18], $0x2000  }
0x2c: {  	[sflag:s18] =	ssyncset.done $0x0  }
0x2d: {  	[sflag:s18] =	ssyncadd.s32 $0xFFFFE000  }
0x2e: {  	[hbm4b:s10+s2] =	stream.linear.scatter [tilespmem:s16], [sflag:$0x3], $0x2000, $0x38;
	[tilespmem:$0x6800] =	vst v63  }
0x2f: {  	_ =	swait.ge [sflag:s14], $0x2000  }
0x30: {  	[sflag:s14] =	ssyncset.done $0x0  }
0x31: {  	[sflag:s14] =	ssyncadd.s32 $0xFFFFE000  }
0x32: {  	_ =	swait.ge [sflag:s19], $0x2000  }
0x33: {  	[sflag:s19] =	ssyncset.done $0x0  }
0x34: {  	[sflag:s19] =	ssyncadd.s32 $0xFFFFE000  }
0x35: {  	[hbm4b:s11+s2] =	stream.linear.scatter [tilespmem:s17], [sflag:$0x3], $0x2000, $0x38;
	[tilespmem:$0x6800] =	vst v63  }
0x36: {  	_ =	swait.ge [sflag:s14], $0x2000  }
0x37: {  	[sflag:s14] =	ssyncset.done $0x0  }
0x38: {  	[sflag:s14] =	ssyncadd.s32 $0xFFFFE000  }
0x39: {  	[tilespmem:s2], [sflag:$0x3] =	stream.linear.gather [hbm4b:s7+s2], $0x2800, $0x38;
	[tilespmem:$0x6800] =	vst v63  }
0x3a: {  	_ =	swait.ge [sflag:s14], $0x2800  }
0x3b: {  	[sflag:s14] =	ssyncset.done $0x0  }
0x3c: {  	[sflag:s14] =	ssyncadd.s32 $0xFFFFD800  }
0x3d: {  	[tilespmem:s16], [sflag:$0x1] =	stream.indirect.gather [hbm4b:s4+s15], $0x40, s2, s15, $0xb8;
	[tilespmem:$0x6800] =	vst v63  }
0x3e: {  	s23 =	simm.s32 $0x80  }
0x3f: {  	[tilespmem:s17], [sflag:$0x2] =	stream.indirect.gather [hbm4b:s4+s15], $0x40, s23, s15, $0xb8;
	[tilespmem:$0x6800] =	vst v63  }
0x40: {  	_ =	swait.ge [sflag:s18], $0x2000  }
0x41: {  	[sflag:s18] =	ssyncset.done $0x0  }
0x42: {  	s30 =	sadd.s32 $0x0, s12;
	[sflag:s18] =	ssyncadd.s32 $0xFFFFE000  }
0x43: {  	[hbm4b:s30+s2] =	stream.linear.scatter [tilespmem:s16], [sflag:$0x3], $0x2000, $0x38;
	[tilespmem:$0x6800] =	vst v63  }
0x44: {  	_ =	swait.ge [sflag:s14], $0x2000  }
0x45: {  	[sflag:s14] =	ssyncset.done $0x0  }
0x46: {  	[sflag:s14] =	ssyncadd.s32 $0xFFFFE000  }
0x47: {  	_ =	swait.ge [sflag:s19], $0x2000  }
0x48: {  	[sflag:s19] =	ssyncset.done $0x0  }
0x49: {  	s31 =	sadd.s32 $0x0, s13;
	[sflag:s19] =	ssyncadd.s32 $0xFFFFE000  }
0x4a: {  	[hbm4b:s31+s2] =	stream.linear.scatter [tilespmem:s17], [sflag:$0x3], $0x2000, $0x38;
	[tilespmem:$0x6800] =	vst v63  }
0x4b: {  	_ =	swait.ge [sflag:s14], $0x2000  }
0x4c: {  	s24 =	simm.s32 $0x0;
	s23 =	simm.s32 $0x800;
	[sflag:s14] =	ssyncset.done $0x0  }
.LBB2_2:
0x4d: {  	p0 =	sne.s32 s23, $0x13800;
	[sflag:s14] =	ssyncadd.s32 $0xFFFFE000;
	s24 =	sadd.s32 $0x100, s24  }
0x4e: {  	[tilespmem:s16], [sflag:$0x1] =	stream.indirect.gather [hbm4b:s4+s15], $0x40, s24, s15, $0xb8;
	[tilespmem:$0x6800] =	vst v63  }
0x4f: {  	s26 =	smov.u32 s23;
	s23 =	sadd.s32 $0x800, s23;
	s25 =	sadd.s32 $0x80, s24  }
0x50: {  	[tilespmem:s17], [sflag:$0x2] =	stream.indirect.gather [hbm4b:s4+s15], $0x40, s25, s15, $0xb8;
	[tilespmem:$0x6800] =	vst v63  }
0x51: {  	_ =	swait.ge [sflag:s18], $0x2000  }
0x52: {  	[sflag:s18] =	ssyncset.done $0x0  }
0x53: {  	s25 =	sadd.s32 s26, s12;
	[sflag:s18] =	ssyncadd.s32 $0xFFFFE000  }
0x54: {  	[hbm4b:s25+s2] =	stream.linear.scatter [tilespmem:s16], [sflag:$0x3], $0x2000, $0x38;
	[tilespmem:$0x6800] =	vst v63  }
0x55: {  	_ =	swait.ge [sflag:s14], $0x2000  }
0x56: {  	[sflag:s14] =	ssyncset.done $0x0  }
0x57: {  	[sflag:s14] =	ssyncadd.s32 $0xFFFFE000  }
0x58: {  	_ =	swait.ge [sflag:s19], $0x2000  }
.Ltmp0:
0x59: {  	[sflag:s19] =	ssyncset.done $0x0;
	(pc) =	sbr.rel @p0 .LBB2_2-.Ltmp0, $4  }
0x5a: {  	s25 =	sadd.s32 s26, s13;
	[sflag:s19] =	ssyncadd.s32 $0xFFFFE000  }
0x5b: {  	[hbm4b:s25+s2] =	stream.linear.scatter [tilespmem:s17], [sflag:$0x3], $0x2000, $0x38;
	[tilespmem:$0x6800] =	vst v63  }
0x5c: {  	_ =	swait.ge [sflag:s14], $0x2000  }
0x5d: {  	[sflag:s14] =	ssyncset.done $0x0  }
0x5e: {  	s22 =	sadd.s32 $0x1, s22  }
0x5f: {  	p0 =	sne.s32 s22, s8  }
.Ltmp1:
0x60: {  	_ = 	snop;
	(pc) =	sbr.rel @p0 .LBB2_1-.Ltmp1, $2  }
0x61: {  	_ =	sdelay $0x2  }
0x62: {  	[sflag:s14] =	ssyncadd.s32 $0xFFFFE000  }
0x63: {  	_ =	sfence.sel $0x180000  }
0x64: {  	[bflag:$0x0] =	sbarrier.arrive $0xFFFF  }
0x65: {  	p0 =	sne.s32 s0, $0x0;
	_ =	strace $0x90000047  }
0x66: {  	s0 =	sadd.s32 @!p0 $0x100000, s1;
	[bflag:$0x2] =	sbarrier.arrive $0xFFFF  }
0x67: {  	[sflag:s0] =	ssyncadd.tile.s32 @!p0 $0x1;
	_ =	shalt  }
.Lfunc_end2:
_tile_overlayer_lowered:
.L_overlay_start_2:
0x68: {  	(tag) =	ssettag $0x2  }
0x69: {  	s0 =	rddreg [dreg:$0x0];
	s2 =	stileid.u32  }
0x6a: {  	s1 =	rddreg [dreg:$0x1];
	p0 =	sne.s32 s2, $0x0  }
0x6b: {  	s3 =	rddreg [dreg:$0x2];
	[bflag:$0x3] =	sbarrier.arrive $0xFFFF;
	s2 =	simm.s32 @!p0 $0x1C03  }
0x6c: {  	[timem:s3], [sflag:s2] =	dma.local @!p0 [hbm:s0], s1  }
0x6d: {  	s0 =	simm.s32 @!p0 $0x3  }
0x6e: {  	_ =	swait.ge @!p0 [sflag:s0], s1  }
0x6f: {  	s1 =	ssub.s32 @!p0 $0x0, s1;
	[sflag:s0] =	ssyncset.done @!p0 $0x0  }
0x70: {  	[sflag:s0] =	ssyncadd.s32 @!p0 s1  }
0x71: {  	[bflag:$0x3] =	sbarrier.arrive $0xFFFF  }
0x72: {  	_ =	shalt  }

</sc_bundles>
